<compile_context>
chip_gen: v7x
topology: tpu7x:2x2x1
jax: 0.10.2.dev20260603
libtpu: 0.0.44.dev20260713+nightly
codegen_flags: <defaults>
</compile_context>

<pallas_src>
import functools

import jax
import jax.numpy as jnp
from jax import lax
from jax.experimental import pallas as pl
from jax.experimental.pallas import tpu as pltpu
from jax.experimental.pallas import tpu_sc as plsc

N_PAIRS = 320000
N_ATOMS = 10000
D = 128
N_MOL = 500
ACC_ROWS = 512

NC = 2
NS = 16
L = 16

NW = NC * NS
PPT = N_PAIRS // NW
C = 80
NCH = PPT // C
GPC = C // L
RPT = ACC_ROWS // NS
NB = 8
K = 6


def _make_kernel():
    mesh = plsc.VectorSubcoreMesh(core_axis_name="c", subcore_axis_name="s")

    @functools.partial(
        pl.kernel,
        mesh=mesh,
        out_type=jax.ShapeDtypeStruct((NC, ACC_ROWS, D), jnp.float32),
        compiler_params=pltpu.CompilerParams(needs_layout_passes=False),
        scratch_types=[
            pltpu.VMEM((N_ATOMS,), jnp.int32),
            pltpu.VMEM((PPT,), jnp.int32),
            pltpu.VMEM((NCH, C), jnp.int32),
            pltpu.VMEM((NB, C, D), jnp.float32),
            pltpu.VMEM_SHARED((ACC_ROWS, D), jnp.float32),
            pltpu.SemaphoreType.DMA((NB,)),
            pltpu.SemaphoreType.DMA((NB,)),
            pltpu.SemaphoreType.DMA,
        ],
    )
    def k(pf_hbm, mol_hbm, pfirst_hbm, out_hbm, mol_v, pfv, pmol_v, rows_v,
          acc_sh, lsem, ssem, tsem):
        cid = lax.axis_index("c")
        sid = lax.axis_index("s")
        wid = sid * NC + cid
        base = wid * PPT

        pltpu.async_copy(mol_hbm, mol_v, tsem)
        pltpu.async_copy(pfirst_hbm.at[pl.ds(base, PPT)], pfv, tsem)

        zero = jnp.zeros((L,), jnp.float32)

        def zrow(i, carry):
            r = i // (D // L)
            j = i % (D // L)
            rows_v[0, r, pl.ds(j * L, L)] = zero
            return carry

        lax.fori_loop(0, RPT * (D // L), zrow, 0)
        pltpu.sync_copy(rows_v.at[0, pl.ds(0, RPT)],
                        acc_sh.at[pl.ds(sid * RPT, RPT)])

        pltpu.make_async_copy(mol_hbm, mol_v, tsem).wait()
        pltpu.make_async_copy(pfirst_hbm.at[pl.ds(base, PPT)], pfv,
                              tsem).wait()

        def grow(j):
            for g in range(GPC):
                idx = pfv[pl.ds(j * C + g * L, L)]
                pm = plsc.load_gather(mol_v, [idx])
                pmol_v[j, pl.ds(g * L, L)] = pm

        for b in range(K):
            pltpu.async_copy(pf_hbm.at[pl.ds(base + b * C, C)],
                             rows_v.at[b], lsem.at[b])
            grow(b)

        plsc.subcore_barrier()

        def cbody(c, carry):
            b = lax.rem(c, NB)
            j = c + K
            bj = lax.rem(j, NB)

            @pl.when(j < NCH)
            def _():
                grow(j)

            pltpu.make_async_copy(pf_hbm.at[pl.ds(base + c * C, C)],
                                  rows_v.at[b], lsem.at[b]).wait()
            pltpu.async_copy(rows_v.at[b], acc_sh.at[pmol_v.at[c]],
                             ssem.at[b], add=True)

            @pl.when(j < NCH)
            def _():
                @pl.when(j >= NB)
                def _():
                    pltpu.make_async_copy(
                        rows_v.at[bj], acc_sh.at[pmol_v.at[0]],
                        ssem.at[bj]).wait()

                pltpu.async_copy(pf_hbm.at[pl.ds(base + j * C, C)],
                                 rows_v.at[bj], lsem.at[bj])
            return carry

        lax.fori_loop(0, NCH, cbody, 0)

        def dbody(c, carry):
            pltpu.make_async_copy(rows_v.at[lax.rem(c, NB)],
                                  acc_sh.at[pmol_v.at[0]],
                                  ssem.at[lax.rem(c, NB)]).wait()
            return carry

        lax.fori_loop(NCH - NB, NCH, dbody, 0)

        plsc.subcore_barrier()

        pltpu.sync_copy(acc_sh.at[pl.ds(sid * RPT, RPT)],
                        out_hbm.at[cid, pl.ds(sid * RPT, RPT)])

    return k


def kernel(pairfeatures, mol_index, n_molecules, pair_first):
    del n_molecules
    k = _make_kernel()
    partials = k(pairfeatures,
                 mol_index.astype(jnp.int32),
                 pair_first.astype(jnp.int32))
    return (partials[0, :N_MOL] + partials[1, :N_MOL]).astype(
        pairfeatures.dtype)

# --- scband reference (transcript-rebuilt; emitter-appended) ---
"""Pipeline reference for scband-mol-pair-summer-61787399520642 (READ-ONLY COPY).

The authoritative reference and input builder live on the scoring server;
editing this copy changes nothing except your own understanding.
"""

import jax, jax.numpy as jnp
import numpy as np


def setup_inputs(seed: int = 0) -> dict:
    key = jax.random.key(seed)
    k1, k2, k3 = jax.random.split(key, 3)
    n_atoms = 10000
    n_pairs = 320000
    d_feat = 128
    n_molecules = 500
    pairfeatures = jax.random.normal(k1, (n_pairs, d_feat), dtype=jnp.float32)
    mol_index = jnp.sort(jax.random.randint(k2, (n_atoms,), 0, n_molecules, dtype=jnp.int64))
    pair_first = jax.random.randint(k3, (n_pairs,), 0, n_atoms, dtype=jnp.int64)
    return {
        "pairfeatures": pairfeatures,
        "mol_index": mol_index,
        "n_molecules": n_molecules,
        "pair_first": pair_first,
    }


def reference(pairfeatures, mol_index, n_molecules, pair_first):
    # pair_mol = mol_index[pair_first]
    pair_mol = jnp.take(mol_index, pair_first, axis=0)
    feat_shape = (1,) if pairfeatures.ndim == 1 else pairfeatures.shape[1:]
    n_molecules_static = 500
    out_shape = (n_molecules_static, *feat_shape)
    result = jnp.zeros(out_shape, dtype=pairfeatures.dtype)
    result = result + (jnp.asarray(n_molecules) * 0).astype(pairfeatures.dtype)
    # index_add_ -> scatter-add
    result = result.at[pair_mol].add(pairfeatures)
    return result

if __name__ == "__main__":
    import jax
    _d = setup_inputs()
    print(jax.jit(kernel)(*tuple(_d.values())))

</pallas_src>

<mosaic_0001>
#map = affine_map<(d0, d1) -> (0, 0)>
#map1 = affine_map<(d0, d1) -> (0)>
#map2 = affine_map<(d0, d1) -> (0, 0, 0)>
module attributes {stable_mosaic.version = 14 : i64} {
  func.func @k(%arg0: i32, %arg1: i32, %arg2: memref<320000x128xf32, #tpu.memory_space<hbm>>, %arg3: memref<10000xi32, #tpu.memory_space<hbm>>, %arg4: memref<320000xi32, #tpu.memory_space<hbm>>, %arg5: memref<2x512x128xf32, #tpu.memory_space<hbm>>, %arg6: memref<10000xi32, #tpu.memory_space<vmem>>, %arg7: memref<10000xi32, #tpu.memory_space<vmem>>, %arg8: memref<125x80xi32, #tpu.memory_space<vmem>>, %arg9: memref<8x80x128xf32, #tpu.memory_space<vmem>>, %arg10: memref<512x128xf32, #tpu.memory_space<vmem_shared>>, %arg11: memref<8x!tpu.dma_semaphore, #tpu.memory_space<semaphore_mem>>, %arg12: memref<8x!tpu.dma_semaphore, #tpu.memory_space<semaphore_mem>>, %arg13: memref<!tpu.dma_semaphore, #tpu.memory_space<semaphore_mem>>) attributes {dimension_semantics = [#tpu.dimension_semantics<core_parallel>, #tpu.dimension_semantics<subcore_parallel>], iteration_bounds = array<i64: 2, 16>, scalar_prefetch = 0 : i64, scratch_operands = 8 : i64, tpu.core_type = #tpu.core_type<sc_vector_subcore>, window_params = [{transform_indices = #map}, {transform_indices = #map1}, {transform_indices = #map1}, {transform_indices = #map2}]} {
    %mul3A = arith.constant 2 : i32
    %mul3A_0 = arith.muli %arg1, %mul3A : i32
    %add3A = arith.addi %mul3A_0, %arg0 : i32
    %mul3A_1 = arith.constant 10000 : i32
    %mul3A_2 = arith.muli %add3A, %mul3A_1 : i32
    tpu.enqueue_dma source(%arg3 : memref<10000xi32, #tpu.memory_space<hbm>>) target(%arg6 : memref<10000xi32, #tpu.memory_space<vmem>>) target_semaphore(%arg13 : memref<!tpu.dma_semaphore, #tpu.memory_space<semaphore_mem>>)
    %dma_start3A = tpu.memref_slice %arg4[%mul3A_2] : memref<320000xi32, #tpu.memory_space<hbm>> -> memref<10000xi32, #tpu.memory_space<hbm>>
    %dma_start3A_3 = tpu.memref_slice %arg4[%mul3A_2] : memref<320000xi32, #tpu.memory_space<hbm>> -> memref<10000xi32, #tpu.memory_space<hbm>>
    tpu.enqueue_dma source(%dma_start3A_3 : memref<10000xi32, #tpu.memory_space<hbm>>) target(%arg7 : memref<10000xi32, #tpu.memory_space<vmem>>) target_semaphore(%arg13 : memref<!tpu.dma_semaphore, #tpu.memory_space<semaphore_mem>>)
    %broadcast_in_dim3A = arith.constant 0.000000e+00 : f32
    %broadcast_in_dim3A_4 = vector.broadcast %broadcast_in_dim3A : f32 to vector<16xf32>
    %scan3A = arith.constant 0 : i32
    %scan3A_5 = arith.constant 0 : i32
    %scan3A_6 = arith.constant 256 : i32
    %scan3A_7 = arith.addi %scan3A_5, %scan3A_6 : i32
    %scan3A_8 = arith.constant 1 : i32
    scf.for %scan3A_345 = %scan3A_5 to %scan3A_7 step %scan3A_8  : i32 {
      %jit3A = arith.constant 8 : i32
      %div3A = arith.divsi %scan3A_345, %jit3A : i32
      %sign3A = arith.constant 0 : i32
      %sign3A_346 = arith.cmpi sgt, %scan3A_345, %sign3A : i32
      %sign3A_347 = arith.extui %sign3A_346 : i1 to i32
      %sign3A_348 = arith.constant 0 : i32
      %sign3A_349 = arith.cmpi slt, %scan3A_345, %sign3A_348 : i32
      %sign3A_350 = arith.extui %sign3A_349 : i1 to i32
      %sign3A_351 = arith.subi %sign3A_347, %sign3A_350 : i32
      %sign3A_352 = arith.constant 0 : i32
      %sign3A_353 = arith.cmpi sgt, %jit3A, %sign3A_352 : i32
      %sign3A_354 = arith.extui %sign3A_353 : i1 to i32
      %sign3A_355 = arith.constant 0 : i32
      %sign3A_356 = arith.cmpi slt, %jit3A, %sign3A_355 : i32
      %sign3A_357 = arith.extui %sign3A_356 : i1 to i32
      %sign3A_358 = arith.subi %sign3A_354, %sign3A_357 : i32
      %ne3A = arith.cmpi ne, %sign3A_351, %sign3A_358 : i32
      %rem3A = arith.remsi %scan3A_345, %jit3A : i32
      %ne3A_359 = arith.constant 0 : i32
      %ne3A_360 = arith.cmpi ne, %rem3A, %ne3A_359 : i32
      %and3A = arith.andi %ne3A, %ne3A_360 : i1
      %sub3A = arith.constant 1 : i32
      %sub3A_361 = arith.subi %div3A, %sub3A : i32
      %select_n3A = arith.select %and3A, %sub3A_361, %div3A : i32
      %jit3A_362 = arith.constant 8 : i32
      %eq3A = arith.constant 0 : i32
      %eq3A_363 = arith.cmpi eq, %jit3A_362, %eq3A : i32
      %jit3A_364 = arith.constant 1 : i32
      %select_n3A_365 = arith.select %eq3A_363, %jit3A_364, %jit3A_362 : i32
      %rem3A_366 = arith.remsi %scan3A_345, %select_n3A_365 : i32
      %ne3A_367 = arith.constant 0 : i32
      %ne3A_368 = arith.cmpi ne, %rem3A_366, %ne3A_367 : i32
      %lt3A = arith.constant 0 : i32
      %lt3A_369 = arith.cmpi slt, %rem3A_366, %lt3A : i32
      %lt3A_370 = arith.constant 0 : i32
      %lt3A_371 = arith.cmpi slt, %select_n3A_365, %lt3A_370 : i32
      %ne3A_372 = arith.xori %lt3A_369, %lt3A_371 : i1
      %and3A_373 = arith.andi %ne3A_372, %ne3A_368 : i1
      %add3A_374 = arith.addi %rem3A_366, %select_n3A_365 : i32
      %select_n3A_375 = arith.select %and3A_373, %add3A_374, %rem3A_366 : i32
      %mul3A_376 = arith.constant 16 : i32
      %mul3A_377 = arith.muli %select_n3A_375, %mul3A_376 : i32
      %swap3A_378 = arith.constant 0 : i32
      %swap3A_379 = arith.index_cast %swap3A_378 : i32 to index
      %swap3A_380 = arith.index_cast %select_n3A : i32 to index
      %swap3A_381 = arith.index_cast %mul3A_377 : i32 to index
      %swap3A_382 = tpu.vector_load %arg9[%swap3A_379, %swap3A_380, %swap3A_381] {strides = array<i32>} : memref<8x80x128xf32, #tpu.memory_space<vmem>>, vector<16xf32>,
      tpu.vector_store %arg9[%swap3A_379, %swap3A_380, %swap3A_381], %broadcast_in_dim3A_4 {strides = array<i32>} : memref<8x80x128xf32, #tpu.memory_space<vmem>>, vector<16xf32>,
    }
    %scan3A_9 = arith.constant 256 : i32
    %mul3A_10 = arith.constant 32 : i32
    %mul3A_11 = arith.muli %arg1, %mul3A_10 : i32
    %run_scoped3A = arith.constant 0 : i32
    "tpu.region"() ({
      %run_scoped3A_345 = tpu.sem_alloc : memref<!tpu.dma_semaphore, #tpu.memory_space<semaphore_mem>>
      %dma_start3A_346 = arith.constant 0 : i32
      %dma_start3A_347 = arith.constant 0 : i32
      %dma_start3A_348 = tpu.memref_slice %arg9[%run_scoped3A, %dma_start3A_346, %dma_start3A_347] : memref<8x80x128xf32, #tpu.memory_space<vmem>> -> memref<1x32x128xf32, #tpu.memory_space<vmem>>
      %dma_start3A_349 = tpu.memref_squeeze %dma_start3A_348 : memref<1x32x128xf32, #tpu.memory_space<vmem>> -> memref<32x128xf32, #tpu.memory_space<vmem>>
      %dma_start3A_350 = arith.constant 0 : i32
      %dma_start3A_351 = tpu.memref_slice %arg10[%mul3A_11, %dma_start3A_350] : memref<512x128xf32, #tpu.memory_space<vmem_shared>> -> memref<32x128xf32, #tpu.memory_space<vmem_shared>>
      %dma_start3A_352 = arith.constant 0 : i32
      %dma_start3A_353 = tpu.memref_slice %arg10[%mul3A_11, %dma_start3A_352] : memref<512x128xf32, #tpu.memory_space<vmem_shared>> -> memref<32x128xf32, #tpu.memory_space<vmem_shared>>
      %dma_start3A_354 = arith.constant 0 : i32
      %dma_start3A_355 = arith.constant 0 : i32
      %dma_start3A_356 = tpu.memref_slice %arg9[%run_scoped3A, %dma_start3A_354, %dma_start3A_355] : memref<8x80x128xf32, #tpu.memory_space<vmem>> -> memref<1x32x128xf32, #tpu.memory_space<vmem>>
      %dma_start3A_357 = tpu.memref_squeeze %dma_start3A_356 : memref<1x32x128xf32, #tpu.memory_space<vmem>> -> memref<32x128xf32, #tpu.memory_space<vmem>>
      tpu.enqueue_dma source(%dma_start3A_357 : memref<32x128xf32, #tpu.memory_space<vmem>>) target(%dma_start3A_353 : memref<32x128xf32, #tpu.memory_space<vmem_shared>>) target_semaphore(%run_scoped3A_345 : memref<!tpu.dma_semaphore, #tpu.memory_space<semaphore_mem>>)
      %dma_wait3A_358 = arith.constant 0 : i32
      %dma_wait3A_359 = arith.constant 0 : i32
      %dma_wait3A_360 = tpu.memref_slice %arg9[%run_scoped3A, %dma_wait3A_358, %dma_wait3A_359] : memref<8x80x128xf32, #tpu.memory_space<vmem>> -> memref<1x32x128xf32, #tpu.memory_space<vmem>>
      %dma_wait3A_361 = tpu.memref_squeeze %dma_wait3A_360 : memref<1x32x128xf32, #tpu.memory_space<vmem>> -> memref<32x128xf32, #tpu.memory_space<vmem>>
      %dma_wait3A_362 = arith.constant 0 : i32
      %dma_wait3A_363 = tpu.memref_slice %arg10[%mul3A_11, %dma_wait3A_362] : memref<512x128xf32, #tpu.memory_space<vmem_shared>> -> memref<32x128xf32, #tpu.memory_space<vmem_shared>>
      %dma_wait3A_364 = arith.constant 0 : i32
      %dma_wait3A_365 = tpu.memref_slice %arg10[%mul3A_11, %dma_wait3A_364] : memref<512x128xf32, #tpu.memory_space<vmem_shared>> -> memref<32x128xf32, #tpu.memory_space<vmem_shared>>
      %dma_wait3A_366 = arith.constant 0 : i32
      %dma_wait3A_367 = arith.constant 0 : i32
      %dma_wait3A_368 = tpu.memref_slice %arg9[%run_scoped3A, %dma_wait3A_366, %dma_wait3A_367] : memref<8x80x128xf32, #tpu.memory_space<vmem>> -> memref<1x32x128xf32, #tpu.memory_space<vmem>>
      %dma_wait3A_369 = tpu.memref_squeeze %dma_wait3A_368 : memref<1x32x128xf32, #tpu.memory_space<vmem>> -> memref<32x128xf32, #tpu.memory_space<vmem>>
      tpu.wait_dma2 semaphore(%run_scoped3A_345 : memref<!tpu.dma_semaphore, #tpu.memory_space<semaphore_mem>>) src(%dma_wait3A_369 : memref<32x128xf32, #tpu.memory_space<vmem>>) dst(%dma_wait3A_365 : memref<32x128xf32, #tpu.memory_space<vmem_shared>>)
      tpu.yield
    }) : () -> ()
    tpu.wait_dma2 semaphore(%arg13 : memref<!tpu.dma_semaphore, #tpu.memory_space<semaphore_mem>>) src(%arg3 : memref<10000xi32, #tpu.memory_space<hbm>>) dst(%arg6 : memref<10000xi32, #tpu.memory_space<vmem>>)
    %dma_wait3A = tpu.memref_slice %arg4[%mul3A_2] : memref<320000xi32, #tpu.memory_space<hbm>> -> memref<10000xi32, #tpu.memory_space<hbm>>
    %dma_wait3A_12 = tpu.memref_slice %arg4[%mul3A_2] : memref<320000xi32, #tpu.memory_space<hbm>> -> memref<10000xi32, #tpu.memory_space<hbm>>
    tpu.wait_dma2 semaphore(%arg13 : memref<!tpu.dma_semaphore, #tpu.memory_space<semaphore_mem>>) src(%dma_wait3A_12 : memref<10000xi32, #tpu.memory_space<hbm>>) dst(%arg7 : memref<10000xi32, #tpu.memory_space<vmem>>)
    %add3A_13 = arith.constant 0 : i32
    %add3A_14 = arith.addi %mul3A_2, %add3A_13 : i32
    %dma_start3A_15 = arith.constant 0 : i32
    %dma_start3A_16 = arith.constant 0 : i32
    %dma_start3A_17 = arith.constant 0 : i32
    %dma_start3A_18 = arith.constant 0 : i32
    %dma_start3A_19 = tpu.memref_slice %arg9[%dma_start3A_15, %dma_start3A_17, %dma_start3A_18] : memref<8x80x128xf32, #tpu.memory_space<vmem>> -> memref<1x80x128xf32, #tpu.memory_space<vmem>>
    %dma_start3A_20 = tpu.memref_squeeze %dma_start3A_19 : memref<1x80x128xf32, #tpu.memory_space<vmem>> -> memref<80x128xf32, #tpu.memory_space<vmem>>
    %dma_start3A_21 = arith.constant 0 : i32
    %dma_start3A_22 = tpu.memref_slice %arg2[%add3A_14, %dma_start3A_21] : memref<320000x128xf32, #tpu.memory_space<hbm>> -> memref<80x128xf32, #tpu.memory_space<hbm>>
    %dma_start3A_23 = tpu.memref_slice %arg11[%dma_start3A_16] : memref<8x!tpu.dma_semaphore, #tpu.memory_space<semaphore_mem>> -> memref<1x!tpu.dma_semaphore, #tpu.memory_space<semaphore_mem>>
    %dma_start3A_24 = tpu.memref_squeeze %dma_start3A_23 : memref<1x!tpu.dma_semaphore, #tpu.memory_space<semaphore_mem>> -> memref<!tpu.dma_semaphore, #tpu.memory_space<semaphore_mem>>
    %dma_start3A_25 = arith.constant 0 : i32
    %dma_start3A_26 = arith.constant 0 : i32
    %dma_start3A_27 = tpu.memref_slice %arg9[%dma_start3A_15, %dma_start3A_25, %dma_start3A_26] : memref<8x80x128xf32, #tpu.memory_space<vmem>> -> memref<1x80x128xf32, #tpu.memory_space<vmem>>
    %dma_start3A_28 = tpu.memref_squeeze %dma_start3A_27 : memref<1x80x128xf32, #tpu.memory_space<vmem>> -> memref<80x128xf32, #tpu.memory_space<vmem>>
    %dma_start3A_29 = arith.constant 0 : i32
    %dma_start3A_30 = tpu.memref_slice %arg2[%add3A_14, %dma_start3A_29] : memref<320000x128xf32, #tpu.memory_space<hbm>> -> memref<80x128xf32, #tpu.memory_space<hbm>>
    tpu.enqueue_dma source(%dma_start3A_30 : memref<80x128xf32, #tpu.memory_space<hbm>>) target(%dma_start3A_28 : memref<80x128xf32, #tpu.memory_space<vmem>>) target_semaphore(%dma_start3A_24 : memref<!tpu.dma_semaphore, #tpu.memory_space<semaphore_mem>>)
    %get3A = arith.constant 0 : index
    %get3A_31 = tpu.vector_load %arg7[%get3A] {strides = array<i32>} : memref<10000xi32, #tpu.memory_space<vmem>>, vector<16xi32>,
    %gather3A = tpu.vector_load_idx %arg6[%get3A_31] : memref<10000xi32, #tpu.memory_space<vmem>>[vector<16xi32>], vector<16xi32>,
    %swap3A = arith.constant 0 : i32
    %swap3A_32 = arith.index_cast %swap3A : i32 to index
    %swap3A_33 = arith.constant 0 : index
    %swap3A_34 = tpu.vector_load %arg8[%swap3A_32, %swap3A_33] {strides = array<i32>} : memref<125x80xi32, #tpu.memory_space<vmem>>, vector<16xi32>,
    tpu.vector_store %arg8[%swap3A_32, %swap3A_33], %gather3A {strides = array<i32>} : memref<125x80xi32, #tpu.memory_space<vmem>>, vector<16xi32>,
    %get3A_35 = arith.constant 16 : index
    %get3A_36 = tpu.vector_load %arg7[%get3A_35] {strides = array<i32>} : memref<10000xi32, #tpu.memory_space<vmem>>, vector<16xi32>,
    %gather3A_37 = tpu.vector_load_idx %arg6[%get3A_36] : memref<10000xi32, #tpu.memory_space<vmem>>[vector<16xi32>], vector<16xi32>,
    %swap3A_38 = arith.constant 0 : i32
    %swap3A_39 = arith.index_cast %swap3A_38 : i32 to index
    %swap3A_40 = arith.constant 16 : index
    %swap3A_41 = tpu.vector_load %arg8[%swap3A_39, %swap3A_40] {strides = array<i32>} : memref<125x80xi32, #tpu.memory_space<vmem>>, vector<16xi32>,
    tpu.vector_store %arg8[%swap3A_39, %swap3A_40], %gather3A_37 {strides = array<i32>} : memref<125x80xi32, #tpu.memory_space<vmem>>, vector<16xi32>,
    %get3A_42 = arith.constant 32 : index
    %get3A_43 = tpu.vector_load %arg7[%get3A_42] {strides = array<i32>} : memref<10000xi32, #tpu.memory_space<vmem>>, vector<16xi32>,
    %gather3A_44 = tpu.vector_load_idx %arg6[%get3A_43] : memref<10000xi32, #tpu.memory_space<vmem>>[vector<16xi32>], vector<16xi32>,
    %swap3A_45 = arith.constant 0 : i32
    %swap3A_46 = arith.index_cast %swap3A_45 : i32 to index
    %swap3A_47 = arith.constant 32 : index
    %swap3A_48 = tpu.vector_load %arg8[%swap3A_46, %swap3A_47] {strides = array<i32>} : memref<125x80xi32, #tpu.memory_space<vmem>>, vector<16xi32>,
    tpu.vector_store %arg8[%swap3A_46, %swap3A_47], %gather3A_44 {strides = array<i32>} : memref<125x80xi32, #tpu.memory_space<vmem>>, vector<16xi32>,
    %get3A_49 = arith.constant 48 : index
    %get3A_50 = tpu.vector_load %arg7[%get3A_49] {strides = array<i32>} : memref<10000xi32, #tpu.memory_space<vmem>>, vector<16xi32>,
    %gather3A_51 = tpu.vector_load_idx %arg6[%get3A_50] : memref<10000xi32, #tpu.memory_space<vmem>>[vector<16xi32>], vector<16xi32>,
    %swap3A_52 = arith.constant 0 : i32
    %swap3A_53 = arith.index_cast %swap3A_52 : i32 to index
    %swap3A_54 = arith.constant 48 : index
    %swap3A_55 = tpu.vector_load %arg8[%swap3A_53, %swap3A_54] {strides = array<i32>} : memref<125x80xi32, #tpu.memory_space<vmem>>, vector<16xi32>,
    tpu.vector_store %arg8[%swap3A_53, %swap3A_54], %gather3A_51 {strides = array<i32>} : memref<125x80xi32, #tpu.memory_space<vmem>>, vector<16xi32>,
    %get3A_56 = arith.constant 64 : index
    %get3A_57 = tpu.vector_load %arg7[%get3A_56] {strides = array<i32>} : memref<10000xi32, #tpu.memory_space<vmem>>, vector<16xi32>,
    %gather3A_58 = tpu.vector_load_idx %arg6[%get3A_57] : memref<10000xi32, #tpu.memory_space<vmem>>[vector<16xi32>], vector<16xi32>,
    %swap3A_59 = arith.constant 0 : i32
    %swap3A_60 = arith.index_cast %swap3A_59 : i32 to index
    %swap3A_61 = arith.constant 64 : index
    %swap3A_62 = tpu.vector_load %arg8[%swap3A_60, %swap3A_61] {strides = array<i32>} : memref<125x80xi32, #tpu.memory_space<vmem>>, vector<16xi32>,
    tpu.vector_store %arg8[%swap3A_60, %swap3A_61], %gather3A_58 {strides = array<i32>} : memref<125x80xi32, #tpu.memory_space<vmem>>, vector<16xi32>,
    %add3A_63 = arith.constant 80 : i32
    %add3A_64 = arith.addi %mul3A_2, %add3A_63 : i32
    %dma_start3A_65 = arith.constant 1 : i32
    %dma_start3A_66 = arith.constant 1 : i32
    %dma_start3A_67 = arith.constant 0 : i32
    %dma_start3A_68 = arith.constant 0 : i32
    %dma_start3A_69 = tpu.memref_slice %arg9[%dma_start3A_65, %dma_start3A_67, %dma_start3A_68] : memref<8x80x128xf32, #tpu.memory_space<vmem>> -> memref<1x80x128xf32, #tpu.memory_space<vmem>>
    %dma_start3A_70 = tpu.memref_squeeze %dma_start3A_69 : memref<1x80x128xf32, #tpu.memory_space<vmem>> -> memref<80x128xf32, #tpu.memory_space<vmem>>
    %dma_start3A_71 = arith.constant 0 : i32
    %dma_start3A_72 = tpu.memref_slice %arg2[%add3A_64, %dma_start3A_71] : memref<320000x128xf32, #tpu.memory_space<hbm>> -> memref<80x128xf32, #tpu.memory_space<hbm>>
    %dma_start3A_73 = tpu.memref_slice %arg11[%dma_start3A_66] : memref<8x!tpu.dma_semaphore, #tpu.memory_space<semaphore_mem>> -> memref<1x!tpu.dma_semaphore, #tpu.memory_space<semaphore_mem>>
    %dma_start3A_74 = tpu.memref_squeeze %dma_start3A_73 : memref<1x!tpu.dma_semaphore, #tpu.memory_space<semaphore_mem>> -> memref<!tpu.dma_semaphore, #tpu.memory_space<semaphore_mem>>
    %dma_start3A_75 = arith.constant 0 : i32
    %dma_start3A_76 = arith.constant 0 : i32
    %dma_start3A_77 = tpu.memref_slice %arg9[%dma_start3A_65, %dma_start3A_75, %dma_start3A_76] : memref<8x80x128xf32, #tpu.memory_space<vmem>> -> memref<1x80x128xf32, #tpu.memory_space<vmem>>
    %dma_start3A_78 = tpu.memref_squeeze %dma_start3A_77 : memref<1x80x128xf32, #tpu.memory_space<vmem>> -> memref<80x128xf32, #tpu.memory_space<vmem>>
    %dma_start3A_79 = arith.constant 0 : i32
    %dma_start3A_80 = tpu.memref_slice %arg2[%add3A_64, %dma_start3A_79] : memref<320000x128xf32, #tpu.memory_space<hbm>> -> memref<80x128xf32, #tpu.memory_space<hbm>>
    tpu.enqueue_dma source(%dma_start3A_80 : memref<80x128xf32, #tpu.memory_space<hbm>>) target(%dma_start3A_78 : memref<80x128xf32, #tpu.memory_space<vmem>>) target_semaphore(%dma_start3A_74 : memref<!tpu.dma_semaphore, #tpu.memory_space<semaphore_mem>>)
    %get3A_81 = arith.constant 80 : index
    %get3A_82 = tpu.vector_load %arg7[%get3A_81] {strides = array<i32>} : memref<10000xi32, #tpu.memory_space<vmem>>, vector<16xi32>,
    %gather3A_83 = tpu.vector_load_idx %arg6[%get3A_82] : memref<10000xi32, #tpu.memory_space<vmem>>[vector<16xi32>], vector<16xi32>,
    %swap3A_84 = arith.constant 1 : i32
    %swap3A_85 = arith.index_cast %swap3A_84 : i32 to index
    %swap3A_86 = arith.constant 0 : index
    %swap3A_87 = tpu.vector_load %arg8[%swap3A_85, %swap3A_86] {strides = array<i32>} : memref<125x80xi32, #tpu.memory_space<vmem>>, vector<16xi32>,
    tpu.vector_store %arg8[%swap3A_85, %swap3A_86], %gather3A_83 {strides = array<i32>} : memref<125x80xi32, #tpu.memory_space<vmem>>, vector<16xi32>,
    %get3A_88 = arith.constant 96 : index
    %get3A_89 = tpu.vector_load %arg7[%get3A_88] {strides = array<i32>} : memref<10000xi32, #tpu.memory_space<vmem>>, vector<16xi32>,
    %gather3A_90 = tpu.vector_load_idx %arg6[%get3A_89] : memref<10000xi32, #tpu.memory_space<vmem>>[vector<16xi32>], vector<16xi32>,
    %swap3A_91 = arith.constant 1 : i32
    %swap3A_92 = arith.index_cast %swap3A_91 : i32 to index
    %swap3A_93 = arith.constant 16 : index
    %swap3A_94 = tpu.vector_load %arg8[%swap3A_92, %swap3A_93] {strides = array<i32>} : memref<125x80xi32, #tpu.memory_space<vmem>>, vector<16xi32>,
    tpu.vector_store %arg8[%swap3A_92, %swap3A_93], %gather3A_90 {strides = array<i32>} : memref<125x80xi32, #tpu.memory_space<vmem>>, vector<16xi32>,
    %get3A_95 = arith.constant 112 : index
    %get3A_96 = tpu.vector_load %arg7[%get3A_95] {strides = array<i32>} : memref<10000xi32, #tpu.memory_space<vmem>>, vector<16xi32>,
    %gather3A_97 = tpu.vector_load_idx %arg6[%get3A_96] : memref<10000xi32, #tpu.memory_space<vmem>>[vector<16xi32>], vector<16xi32>,
    %swap3A_98 = arith.constant 1 : i32
    %swap3A_99 = arith.index_cast %swap3A_98 : i32 to index
    %swap3A_100 = arith.constant 32 : index
    %swap3A_101 = tpu.vector_load %arg8[%swap3A_99, %swap3A_100] {strides = array<i32>} : memref<125x80xi32, #tpu.memory_space<vmem>>, vector<16xi32>,
    tpu.vector_store %arg8[%swap3A_99, %swap3A_100], %gather3A_97 {strides = array<i32>} : memref<125x80xi32, #tpu.memory_space<vmem>>, vector<16xi32>,
    %get3A_102 = arith.constant 128 : index
    %get3A_103 = tpu.vector_load %arg7[%get3A_102] {strides = array<i32>} : memref<10000xi32, #tpu.memory_space<vmem>>, vector<16xi32>,
    %gather3A_104 = tpu.vector_load_idx %arg6[%get3A_103] : memref<10000xi32, #tpu.memory_space<vmem>>[vector<16xi32>], vector<16xi32>,
    %swap3A_105 = arith.constant 1 : i32
    %swap3A_106 = arith.index_cast %swap3A_105 : i32 to index
    %swap3A_107 = arith.constant 48 : index
    %swap3A_108 = tpu.vector_load %arg8[%swap3A_106, %swap3A_107] {strides = array<i32>} : memref<125x80xi32, #tpu.memory_space<vmem>>, vector<16xi32>,
    tpu.vector_store %arg8[%swap3A_106, %swap3A_107], %gather3A_104 {strides = array<i32>} : memref<125x80xi32, #tpu.memory_space<vmem>>, vector<16xi32>,
    %get3A_109 = arith.constant 144 : index
    %get3A_110 = tpu.vector_load %arg7[%get3A_109] {strides = array<i32>} : memref<10000xi32, #tpu.memory_space<vmem>>, vector<16xi32>,
    %gather3A_111 = tpu.vector_load_idx %arg6[%get3A_110] : memref<10000xi32, #tpu.memory_space<vmem>>[vector<16xi32>], vector<16xi32>,
    %swap3A_112 = arith.constant 1 : i32
    %swap3A_113 = arith.index_cast %swap3A_112 : i32 to index
    %swap3A_114 = arith.constant 64 : index
    %swap3A_115 = tpu.vector_load %arg8[%swap3A_113, %swap3A_114] {strides = array<i32>} : memref<125x80xi32, #tpu.memory_space<vmem>>, vector<16xi32>,
    tpu.vector_store %arg8[%swap3A_113, %swap3A_114], %gather3A_111 {strides = array<i32>} : memref<125x80xi32, #tpu.memory_space<vmem>>, vector<16xi32>,
    %add3A_116 = arith.constant 160 : i32
    %add3A_117 = arith.addi %mul3A_2, %add3A_116 : i32
    %dma_start3A_118 = arith.constant 2 : i32
    %dma_start3A_119 = arith.constant 2 : i32
    %dma_start3A_120 = arith.constant 0 : i32
    %dma_start3A_121 = arith.constant 0 : i32
    %dma_start3A_122 = tpu.memref_slice %arg9[%dma_start3A_118, %dma_start3A_120, %dma_start3A_121] : memref<8x80x128xf32, #tpu.memory_space<vmem>> -> memref<1x80x128xf32, #tpu.memory_space<vmem>>
    %dma_start3A_123 = tpu.memref_squeeze %dma_start3A_122 : memref<1x80x128xf32, #tpu.memory_space<vmem>> -> memref<80x128xf32, #tpu.memory_space<vmem>>
    %dma_start3A_124 = arith.constant 0 : i32
    %dma_start3A_125 = tpu.memref_slice %arg2[%add3A_117, %dma_start3A_124] : memref<320000x128xf32, #tpu.memory_space<hbm>> -> memref<80x128xf32, #tpu.memory_space<hbm>>
    %dma_start3A_126 = tpu.memref_slice %arg11[%dma_start3A_119] : memref<8x!tpu.dma_semaphore, #tpu.memory_space<semaphore_mem>> -> memref<1x!tpu.dma_semaphore, #tpu.memory_space<semaphore_mem>>
    %dma_start3A_127 = tpu.memref_squeeze %dma_start3A_126 : memref<1x!tpu.dma_semaphore, #tpu.memory_space<semaphore_mem>> -> memref<!tpu.dma_semaphore, #tpu.memory_space<semaphore_mem>>
    %dma_start3A_128 = arith.constant 0 : i32
    %dma_start3A_129 = arith.constant 0 : i32
    %dma_start3A_130 = tpu.memref_slice %arg9[%dma_start3A_118, %dma_start3A_128, %dma_start3A_129] : memref<8x80x128xf32, #tpu.memory_space<vmem>> -> memref<1x80x128xf32, #tpu.memory_space<vmem>>
    %dma_start3A_131 = tpu.memref_squeeze %dma_start3A_130 : memref<1x80x128xf32, #tpu.memory_space<vmem>> -> memref<80x128xf32, #tpu.memory_space<vmem>>
    %dma_start3A_132 = arith.constant 0 : i32
    %dma_start3A_133 = tpu.memref_slice %arg2[%add3A_117, %dma_start3A_132] : memref<320000x128xf32, #tpu.memory_space<hbm>> -> memref<80x128xf32, #tpu.memory_space<hbm>>
    tpu.enqueue_dma source(%dma_start3A_133 : memref<80x128xf32, #tpu.memory_space<hbm>>) target(%dma_start3A_131 : memref<80x128xf32, #tpu.memory_space<vmem>>) target_semaphore(%dma_start3A_127 : memref<!tpu.dma_semaphore, #tpu.memory_space<semaphore_mem>>)
    %get3A_134 = arith.constant 160 : index
    %get3A_135 = tpu.vector_load %arg7[%get3A_134] {strides = array<i32>} : memref<10000xi32, #tpu.memory_space<vmem>>, vector<16xi32>,
    %gather3A_136 = tpu.vector_load_idx %arg6[%get3A_135] : memref<10000xi32, #tpu.memory_space<vmem>>[vector<16xi32>], vector<16xi32>,
    %swap3A_137 = arith.constant 2 : i32
    %swap3A_138 = arith.index_cast %swap3A_137 : i32 to index
    %swap3A_139 = arith.constant 0 : index
    %swap3A_140 = tpu.vector_load %arg8[%swap3A_138, %swap3A_139] {strides = array<i32>} : memref<125x80xi32, #tpu.memory_space<vmem>>, vector<16xi32>,
    tpu.vector_store %arg8[%swap3A_138, %swap3A_139], %gather3A_136 {strides = array<i32>} : memref<125x80xi32, #tpu.memory_space<vmem>>, vector<16xi32>,
    %get3A_141 = arith.constant 176 : index
    %get3A_142 = tpu.vector_load %arg7[%get3A_141] {strides = array<i32>} : memref<10000xi32, #tpu.memory_space<vmem>>, vector<16xi32>,
    %gather3A_143 = tpu.vector_load_idx %arg6[%get3A_142] : memref<10000xi32, #tpu.memory_space<vmem>>[vector<16xi32>], vector<16xi32>,
    %swap3A_144 = arith.constant 2 : i32
    %swap3A_145 = arith.index_cast %swap3A_144 : i32 to index
    %swap3A_146 = arith.constant 16 : index
    %swap3A_147 = tpu.vector_load %arg8[%swap3A_145, %swap3A_146] {strides = array<i32>} : memref<125x80xi32, #tpu.memory_space<vmem>>, vector<16xi32>,
    tpu.vector_store %arg8[%swap3A_145, %swap3A_146], %gather3A_143 {strides = array<i32>} : memref<125x80xi32, #tpu.memory_space<vmem>>, vector<16xi32>,
    %get3A_148 = arith.constant 192 : index
    %get3A_149 = tpu.vector_load %arg7[%get3A_148] {strides = array<i32>} : memref<10000xi32, #tpu.memory_space<vmem>>, vector<16xi32>,
    %gather3A_150 = tpu.vector_load_idx %arg6[%get3A_149] : memref<10000xi32, #tpu.memory_space<vmem>>[vector<16xi32>], vector<16xi32>,
    %swap3A_151 = arith.constant 2 : i32
    %swap3A_152 = arith.index_cast %swap3A_151 : i32 to index
    %swap3A_153 = arith.constant 32 : index
    %swap3A_154 = tpu.vector_load %arg8[%swap3A_152, %swap3A_153] {strides = array<i32>} : memref<125x80xi32, #tpu.memory_space<vmem>>, vector<16xi32>,
    tpu.vector_store %arg8[%swap3A_152, %swap3A_153], %gather3A_150 {strides = array<i32>} : memref<125x80xi32, #tpu.memory_space<vmem>>, vector<16xi32>,
    %get3A_155 = arith.constant 208 : index
    %get3A_156 = tpu.vector_load %arg7[%get3A_155] {strides = array<i32>} : memref<10000xi32, #tpu.memory_space<vmem>>, vector<16xi32>,
    %gather3A_157 = tpu.vector_load_idx %arg6[%get3A_156] : memref<10000xi32, #tpu.memory_space<vmem>>[vector<16xi32>], vector<16xi32>,
    %swap3A_158 = arith.constant 2 : i32
    %swap3A_159 = arith.index_cast %swap3A_158 : i32 to index
    %swap3A_160 = arith.constant 48 : index
    %swap3A_161 = tpu.vector_load %arg8[%swap3A_159, %swap3A_160] {strides = array<i32>} : memref<125x80xi32, #tpu.memory_space<vmem>>, vector<16xi32>,
    tpu.vector_store %arg8[%swap3A_159, %swap3A_160], %gather3A_157 {strides = array<i32>} : memref<125x80xi32, #tpu.memory_space<vmem>>, vector<16xi32>,
    %get3A_162 = arith.constant 224 : index
    %get3A_163 = tpu.vector_load %arg7[%get3A_162] {strides = array<i32>} : memref<10000xi32, #tpu.memory_space<vmem>>, vector<16xi32>,
    %gather3A_164 = tpu.vector_load_idx %arg6[%get3A_163] : memref<10000xi32, #tpu.memory_space<vmem>>[vector<16xi32>], vector<16xi32>,
    %swap3A_165 = arith.constant 2 : i32
    %swap3A_166 = arith.index_cast %swap3A_165 : i32 to index
    %swap3A_167 = arith.constant 64 : index
    %swap3A_168 = tpu.vector_load %arg8[%swap3A_166, %swap3A_167] {strides = array<i32>} : memref<125x80xi32, #tpu.memory_space<vmem>>, vector<16xi32>,
    tpu.vector_store %arg8[%swap3A_166, %swap3A_167], %gather3A_164 {strides = array<i32>} : memref<125x80xi32, #tpu.memory_space<vmem>>, vector<16xi32>,
    %add3A_169 = arith.constant 240 : i32
    %add3A_170 = arith.addi %mul3A_2, %add3A_169 : i32
    %dma_start3A_171 = arith.constant 3 : i32
    %dma_start3A_172 = arith.constant 3 : i32
    %dma_start3A_173 = arith.constant 0 : i32
    %dma_start3A_174 = arith.constant 0 : i32
    %dma_start3A_175 = tpu.memref_slice %arg9[%dma_start3A_171, %dma_start3A_173, %dma_start3A_174] : memref<8x80x128xf32, #tpu.memory_space<vmem>> -> memref<1x80x128xf32, #tpu.memory_space<vmem>>
    %dma_start3A_176 = tpu.memref_squeeze %dma_start3A_175 : memref<1x80x128xf32, #tpu.memory_space<vmem>> -> memref<80x128xf32, #tpu.memory_space<vmem>>
    %dma_start3A_177 = arith.constant 0 : i32
    %dma_start3A_178 = tpu.memref_slice %arg2[%add3A_170, %dma_start3A_177] : memref<320000x128xf32, #tpu.memory_space<hbm>> -> memref<80x128xf32, #tpu.memory_space<hbm>>
    %dma_start3A_179 = tpu.memref_slice %arg11[%dma_start3A_172] : memref<8x!tpu.dma_semaphore, #tpu.memory_space<semaphore_mem>> -> memref<1x!tpu.dma_semaphore, #tpu.memory_space<semaphore_mem>>
    %dma_start3A_180 = tpu.memref_squeeze %dma_start3A_179 : memref<1x!tpu.dma_semaphore, #tpu.memory_space<semaphore_mem>> -> memref<!tpu.dma_semaphore, #tpu.memory_space<semaphore_mem>>
    %dma_start3A_181 = arith.constant 0 : i32
    %dma_start3A_182 = arith.constant 0 : i32
    %dma_start3A_183 = tpu.memref_slice %arg9[%dma_start3A_171, %dma_start3A_181, %dma_start3A_182] : memref<8x80x128xf32, #tpu.memory_space<vmem>> -> memref<1x80x128xf32, #tpu.memory_space<vmem>>
    %dma_start3A_184 = tpu.memref_squeeze %dma_start3A_183 : memref<1x80x128xf32, #tpu.memory_space<vmem>> -> memref<80x128xf32, #tpu.memory_space<vmem>>
    %dma_start3A_185 = arith.constant 0 : i32
    %dma_start3A_186 = tpu.memref_slice %arg2[%add3A_170, %dma_start3A_185] : memref<320000x128xf32, #tpu.memory_space<hbm>> -> memref<80x128xf32, #tpu.memory_space<hbm>>
    tpu.enqueue_dma source(%dma_start3A_186 : memref<80x128xf32, #tpu.memory_space<hbm>>) target(%dma_start3A_184 : memref<80x128xf32, #tpu.memory_space<vmem>>) target_semaphore(%dma_start3A_180 : memref<!tpu.dma_semaphore, #tpu.memory_space<semaphore_mem>>)
    %get3A_187 = arith.constant 240 : index
    %get3A_188 = tpu.vector_load %arg7[%get3A_187] {strides = array<i32>} : memref<10000xi32, #tpu.memory_space<vmem>>, vector<16xi32>,
    %gather3A_189 = tpu.vector_load_idx %arg6[%get3A_188] : memref<10000xi32, #tpu.memory_space<vmem>>[vector<16xi32>], vector<16xi32>,
    %swap3A_190 = arith.constant 3 : i32
    %swap3A_191 = arith.index_cast %swap3A_190 : i32 to index
    %swap3A_192 = arith.constant 0 : index
    %swap3A_193 = tpu.vector_load %arg8[%swap3A_191, %swap3A_192] {strides = array<i32>} : memref<125x80xi32, #tpu.memory_space<vmem>>, vector<16xi32>,
    tpu.vector_store %arg8[%swap3A_191, %swap3A_192], %gather3A_189 {strides = array<i32>} : memref<125x80xi32, #tpu.memory_space<vmem>>, vector<16xi32>,
    %get3A_194 = arith.constant 256 : index
    %get3A_195 = tpu.vector_load %arg7[%get3A_194] {strides = array<i32>} : memref<10000xi32, #tpu.memory_space<vmem>>, vector<16xi32>,
    %gather3A_196 = tpu.vector_load_idx %arg6[%get3A_195] : memref<10000xi32, #tpu.memory_space<vmem>>[vector<16xi32>], vector<16xi32>,
    %swap3A_197 = arith.constant 3 : i32
    %swap3A_198 = arith.index_cast %swap3A_197 : i32 to index
    %swap3A_199 = arith.constant 16 : index
    %swap3A_200 = tpu.vector_load %arg8[%swap3A_198, %swap3A_199] {strides = array<i32>} : memref<125x80xi32, #tpu.memory_space<vmem>>, vector<16xi32>,
    tpu.vector_store %arg8[%swap3A_198, %swap3A_199], %gather3A_196 {strides = array<i32>} : memref<125x80xi32, #tpu.memory_space<vmem>>, vector<16xi32>,
    %get3A_201 = arith.constant 272 : index
    %get3A_202 = tpu.vector_load %arg7[%get3A_201] {strides = array<i32>} : memref<10000xi32, #tpu.memory_space<vmem>>, vector<16xi32>,
    %gather3A_203 = tpu.vector_load_idx %arg6[%get3A_202] : memref<10000xi32, #tpu.memory_space<vmem>>[vector<16xi32>], vector<16xi32>,
    %swap3A_204 = arith.constant 3 : i32
    %swap3A_205 = arith.index_cast %swap3A_204 : i32 to index
    %swap3A_206 = arith.constant 32 : index
    %swap3A_207 = tpu.vector_load %arg8[%swap3A_205, %swap3A_206] {strides = array<i32>} : memref<125x80xi32, #tpu.memory_space<vmem>>, vector<16xi32>,
    tpu.vector_store %arg8[%swap3A_205, %swap3A_206], %gather3A_203 {strides = array<i32>} : memref<125x80xi32, #tpu.memory_space<vmem>>, vector<16xi32>,
    %get3A_208 = arith.constant 288 : index
    %get3A_209 = tpu.vector_load %arg7[%get3A_208] {strides = array<i32>} : memref<10000xi32, #tpu.memory_space<vmem>>, vector<16xi32>,
    %gather3A_210 = tpu.vector_load_idx %arg6[%get3A_209] : memref<10000xi32, #tpu.memory_space<vmem>>[vector<16xi32>], vector<16xi32>,
    %swap3A_211 = arith.constant 3 : i32
    %swap3A_212 = arith.index_cast %swap3A_211 : i32 to index
    %swap3A_213 = arith.constant 48 : index
    %swap3A_214 = tpu.vector_load %arg8[%swap3A_212, %swap3A_213] {strides = array<i32>} : memref<125x80xi32, #tpu.memory_space<vmem>>, vector<16xi32>,
    tpu.vector_store %arg8[%swap3A_212, %swap3A_213], %gather3A_210 {strides = array<i32>} : memref<125x80xi32, #tpu.memory_space<vmem>>, vector<16xi32>,
    %get3A_215 = arith.constant 304 : index
    %get3A_216 = tpu.vector_load %arg7[%get3A_215] {strides = array<i32>} : memref<10000xi32, #tpu.memory_space<vmem>>, vector<16xi32>,
    %gather3A_217 = tpu.vector_load_idx %arg6[%get3A_216] : memref<10000xi32, #tpu.memory_space<vmem>>[vector<16xi32>], vector<16xi32>,
    %swap3A_218 = arith.constant 3 : i32
    %swap3A_219 = arith.index_cast %swap3A_218 : i32 to index
    %swap3A_220 = arith.constant 64 : index
    %swap3A_221 = tpu.vector_load %arg8[%swap3A_219, %swap3A_220] {strides = array<i32>} : memref<125x80xi32, #tpu.memory_space<vmem>>, vector<16xi32>,
    tpu.vector_store %arg8[%swap3A_219, %swap3A_220], %gather3A_217 {strides = array<i32>} : memref<125x80xi32, #tpu.memory_space<vmem>>, vector<16xi32>,
    %add3A_222 = arith.constant 320 : i32
    %add3A_223 = arith.addi %mul3A_2, %add3A_222 : i32
    %dma_start3A_224 = arith.constant 4 : i32
    %dma_start3A_225 = arith.constant 4 : i32
    %dma_start3A_226 = arith.constant 0 : i32
    %dma_start3A_227 = arith.constant 0 : i32
    %dma_start3A_228 = tpu.memref_slice %arg9[%dma_start3A_224, %dma_start3A_226, %dma_start3A_227] : memref<8x80x128xf32, #tpu.memory_space<vmem>> -> memref<1x80x128xf32, #tpu.memory_space<vmem>>
    %dma_start3A_229 = tpu.memref_squeeze %dma_start3A_228 : memref<1x80x128xf32, #tpu.memory_space<vmem>> -> memref<80x128xf32, #tpu.memory_space<vmem>>
    %dma_start3A_230 = arith.constant 0 : i32
    %dma_start3A_231 = tpu.memref_slice %arg2[%add3A_223, %dma_start3A_230] : memref<320000x128xf32, #tpu.memory_space<hbm>> -> memref<80x128xf32, #tpu.memory_space<hbm>>
    %dma_start3A_232 = tpu.memref_slice %arg11[%dma_start3A_225] : memref<8x!tpu.dma_semaphore, #tpu.memory_space<semaphore_mem>> -> memref<1x!tpu.dma_semaphore, #tpu.memory_space<semaphore_mem>>
    %dma_start3A_233 = tpu.memref_squeeze %dma_start3A_232 : memref<1x!tpu.dma_semaphore, #tpu.memory_space<semaphore_mem>> -> memref<!tpu.dma_semaphore, #tpu.memory_space<semaphore_mem>>
    %dma_start3A_234 = arith.constant 0 : i32
    %dma_start3A_235 = arith.constant 0 : i32
    %dma_start3A_236 = tpu.memref_slice %arg9[%dma_start3A_224, %dma_start3A_234, %dma_start3A_235] : memref<8x80x128xf32, #tpu.memory_space<vmem>> -> memref<1x80x128xf32, #tpu.memory_space<vmem>>
    %dma_start3A_237 = tpu.memref_squeeze %dma_start3A_236 : memref<1x80x128xf32, #tpu.memory_space<vmem>> -> memref<80x128xf32, #tpu.memory_space<vmem>>
    %dma_start3A_238 = arith.constant 0 : i32
    %dma_start3A_239 = tpu.memref_slice %arg2[%add3A_223, %dma_start3A_238] : memref<320000x128xf32, #tpu.memory_space<hbm>> -> memref<80x128xf32, #tpu.memory_space<hbm>>
    tpu.enqueue_dma source(%dma_start3A_239 : memref<80x128xf32, #tpu.memory_space<hbm>>) target(%dma_start3A_237 : memref<80x128xf32, #tpu.memory_space<vmem>>) target_semaphore(%dma_start3A_233 : memref<!tpu.dma_semaphore, #tpu.memory_space<semaphore_mem>>)
    %get3A_240 = arith.constant 320 : index
    %get3A_241 = tpu.vector_load %arg7[%get3A_240] {strides = array<i32>} : memref<10000xi32, #tpu.memory_space<vmem>>, vector<16xi32>,
    %gather3A_242 = tpu.vector_load_idx %arg6[%get3A_241] : memref<10000xi32, #tpu.memory_space<vmem>>[vector<16xi32>], vector<16xi32>,
    %swap3A_243 = arith.constant 4 : i32
    %swap3A_244 = arith.index_cast %swap3A_243 : i32 to index
    %swap3A_245 = arith.constant 0 : index
    %swap3A_246 = tpu.vector_load %arg8[%swap3A_244, %swap3A_245] {strides = array<i32>} : memref<125x80xi32, #tpu.memory_space<vmem>>, vector<16xi32>,
    tpu.vector_store %arg8[%swap3A_244, %swap3A_245], %gather3A_242 {strides = array<i32>} : memref<125x80xi32, #tpu.memory_space<vmem>>, vector<16xi32>,
    %get3A_247 = arith.constant 336 : index
    %get3A_248 = tpu.vector_load %arg7[%get3A_247] {strides = array<i32>} : memref<10000xi32, #tpu.memory_space<vmem>>, vector<16xi32>,
    %gather3A_249 = tpu.vector_load_idx %arg6[%get3A_248] : memref<10000xi32, #tpu.memory_space<vmem>>[vector<16xi32>], vector<16xi32>,
    %swap3A_250 = arith.constant 4 : i32
    %swap3A_251 = arith.index_cast %swap3A_250 : i32 to index
    %swap3A_252 = arith.constant 16 : index
    %swap3A_253 = tpu.vector_load %arg8[%swap3A_251, %swap3A_252] {strides = array<i32>} : memref<125x80xi32, #tpu.memory_space<vmem>>, vector<16xi32>,
    tpu.vector_store %arg8[%swap3A_251, %swap3A_252], %gather3A_249 {strides = array<i32>} : memref<125x80xi32, #tpu.memory_space<vmem>>, vector<16xi32>,
    %get3A_254 = arith.constant 352 : index
    %get3A_255 = tpu.vector_load %arg7[%get3A_254] {strides = array<i32>} : memref<10000xi32, #tpu.memory_space<vmem>>, vector<16xi32>,
    %gather3A_256 = tpu.vector_load_idx %arg6[%get3A_255] : memref<10000xi32, #tpu.memory_space<vmem>>[vector<16xi32>], vector<16xi32>,
    %swap3A_257 = arith.constant 4 : i32
    %swap3A_258 = arith.index_cast %swap3A_257 : i32 to index
    %swap3A_259 = arith.constant 32 : index
    %swap3A_260 = tpu.vector_load %arg8[%swap3A_258, %swap3A_259] {strides = array<i32>} : memref<125x80xi32, #tpu.memory_space<vmem>>, vector<16xi32>,
    tpu.vector_store %arg8[%swap3A_258, %swap3A_259], %gather3A_256 {strides = array<i32>} : memref<125x80xi32, #tpu.memory_space<vmem>>, vector<16xi32>,
    %get3A_261 = arith.constant 368 : index
    %get3A_262 = tpu.vector_load %arg7[%get3A_261] {strides = array<i32>} : memref<10000xi32, #tpu.memory_space<vmem>>, vector<16xi32>,
    %gather3A_263 = tpu.vector_load_idx %arg6[%get3A_262] : memref<10000xi32, #tpu.memory_space<vmem>>[vector<16xi32>], vector<16xi32>,
    %swap3A_264 = arith.constant 4 : i32
    %swap3A_265 = arith.index_cast %swap3A_264 : i32 to index
    %swap3A_266 = arith.constant 48 : index
    %swap3A_267 = tpu.vector_load %arg8[%swap3A_265, %swap3A_266] {strides = array<i32>} : memref<125x80xi32, #tpu.memory_space<vmem>>, vector<16xi32>,
    tpu.vector_store %arg8[%swap3A_265, %swap3A_266], %gather3A_263 {strides = array<i32>} : memref<125x80xi32, #tpu.memory_space<vmem>>, vector<16xi32>,
    %get3A_268 = arith.constant 384 : index
    %get3A_269 = tpu.vector_load %arg7[%get3A_268] {strides = array<i32>} : memref<10000xi32, #tpu.memory_space<vmem>>, vector<16xi32>,
    %gather3A_270 = tpu.vector_load_idx %arg6[%get3A_269] : memref<10000xi32, #tpu.memory_space<vmem>>[vector<16xi32>], vector<16xi32>,
    %swap3A_271 = arith.constant 4 : i32
    %swap3A_272 = arith.index_cast %swap3A_271 : i32 to index
    %swap3A_273 = arith.constant 64 : index
    %swap3A_274 = tpu.vector_load %arg8[%swap3A_272, %swap3A_273] {strides = array<i32>} : memref<125x80xi32, #tpu.memory_space<vmem>>, vector<16xi32>,
    tpu.vector_store %arg8[%swap3A_272, %swap3A_273], %gather3A_270 {strides = array<i32>} : memref<125x80xi32, #tpu.memory_space<vmem>>, vector<16xi32>,
    %add3A_275 = arith.constant 400 : i32
    %add3A_276 = arith.addi %mul3A_2, %add3A_275 : i32
    %dma_start3A_277 = arith.constant 5 : i32
    %dma_start3A_278 = arith.constant 5 : i32
    %dma_start3A_279 = arith.constant 0 : i32
    %dma_start3A_280 = arith.constant 0 : i32
    %dma_start3A_281 = tpu.memref_slice %arg9[%dma_start3A_277, %dma_start3A_279, %dma_start3A_280] : memref<8x80x128xf32, #tpu.memory_space<vmem>> -> memref<1x80x128xf32, #tpu.memory_space<vmem>>
    %dma_start3A_282 = tpu.memref_squeeze %dma_start3A_281 : memref<1x80x128xf32, #tpu.memory_space<vmem>> -> memref<80x128xf32, #tpu.memory_space<vmem>>
    %dma_start3A_283 = arith.constant 0 : i32
    %dma_start3A_284 = tpu.memref_slice %arg2[%add3A_276, %dma_start3A_283] : memref<320000x128xf32, #tpu.memory_space<hbm>> -> memref<80x128xf32, #tpu.memory_space<hbm>>
    %dma_start3A_285 = tpu.memref_slice %arg11[%dma_start3A_278] : memref<8x!tpu.dma_semaphore, #tpu.memory_space<semaphore_mem>> -> memref<1x!tpu.dma_semaphore, #tpu.memory_space<semaphore_mem>>
    %dma_start3A_286 = tpu.memref_squeeze %dma_start3A_285 : memref<1x!tpu.dma_semaphore, #tpu.memory_space<semaphore_mem>> -> memref<!tpu.dma_semaphore, #tpu.memory_space<semaphore_mem>>
    %dma_start3A_287 = arith.constant 0 : i32
    %dma_start3A_288 = arith.constant 0 : i32
    %dma_start3A_289 = tpu.memref_slice %arg9[%dma_start3A_277, %dma_start3A_287, %dma_start3A_288] : memref<8x80x128xf32, #tpu.memory_space<vmem>> -> memref<1x80x128xf32, #tpu.memory_space<vmem>>
    %dma_start3A_290 = tpu.memref_squeeze %dma_start3A_289 : memref<1x80x128xf32, #tpu.memory_space<vmem>> -> memref<80x128xf32, #tpu.memory_space<vmem>>
    %dma_start3A_291 = arith.constant 0 : i32
    %dma_start3A_292 = tpu.memref_slice %arg2[%add3A_276, %dma_start3A_291] : memref<320000x128xf32, #tpu.memory_space<hbm>> -> memref<80x128xf32, #tpu.memory_space<hbm>>
    tpu.enqueue_dma source(%dma_start3A_292 : memref<80x128xf32, #tpu.memory_space<hbm>>) target(%dma_start3A_290 : memref<80x128xf32, #tpu.memory_space<vmem>>) target_semaphore(%dma_start3A_286 : memref<!tpu.dma_semaphore, #tpu.memory_space<semaphore_mem>>)
    %get3A_293 = arith.constant 400 : index
    %get3A_294 = tpu.vector_load %arg7[%get3A_293] {strides = array<i32>} : memref<10000xi32, #tpu.memory_space<vmem>>, vector<16xi32>,
    %gather3A_295 = tpu.vector_load_idx %arg6[%get3A_294] : memref<10000xi32, #tpu.memory_space<vmem>>[vector<16xi32>], vector<16xi32>,
    %swap3A_296 = arith.constant 5 : i32
    %swap3A_297 = arith.index_cast %swap3A_296 : i32 to index
    %swap3A_298 = arith.constant 0 : index
    %swap3A_299 = tpu.vector_load %arg8[%swap3A_297, %swap3A_298] {strides = array<i32>} : memref<125x80xi32, #tpu.memory_space<vmem>>, vector<16xi32>,
    tpu.vector_store %arg8[%swap3A_297, %swap3A_298], %gather3A_295 {strides = array<i32>} : memref<125x80xi32, #tpu.memory_space<vmem>>, vector<16xi32>,
    %get3A_300 = arith.constant 416 : index
    %get3A_301 = tpu.vector_load %arg7[%get3A_300] {strides = array<i32>} : memref<10000xi32, #tpu.memory_space<vmem>>, vector<16xi32>,
    %gather3A_302 = tpu.vector_load_idx %arg6[%get3A_301] : memref<10000xi32, #tpu.memory_space<vmem>>[vector<16xi32>], vector<16xi32>,
    %swap3A_303 = arith.constant 5 : i32
    %swap3A_304 = arith.index_cast %swap3A_303 : i32 to index
    %swap3A_305 = arith.constant 16 : index
    %swap3A_306 = tpu.vector_load %arg8[%swap3A_304, %swap3A_305] {strides = array<i32>} : memref<125x80xi32, #tpu.memory_space<vmem>>, vector<16xi32>,
    tpu.vector_store %arg8[%swap3A_304, %swap3A_305], %gather3A_302 {strides = array<i32>} : memref<125x80xi32, #tpu.memory_space<vmem>>, vector<16xi32>,
    %get3A_307 = arith.constant 432 : index
    %get3A_308 = tpu.vector_load %arg7[%get3A_307] {strides = array<i32>} : memref<10000xi32, #tpu.memory_space<vmem>>, vector<16xi32>,
    %gather3A_309 = tpu.vector_load_idx %arg6[%get3A_308] : memref<10000xi32, #tpu.memory_space<vmem>>[vector<16xi32>], vector<16xi32>,
    %swap3A_310 = arith.constant 5 : i32
    %swap3A_311 = arith.index_cast %swap3A_310 : i32 to index
    %swap3A_312 = arith.constant 32 : index
    %swap3A_313 = tpu.vector_load %arg8[%swap3A_311, %swap3A_312] {strides = array<i32>} : memref<125x80xi32, #tpu.memory_space<vmem>>, vector<16xi32>,
    tpu.vector_store %arg8[%swap3A_311, %swap3A_312], %gather3A_309 {strides = array<i32>} : memref<125x80xi32, #tpu.memory_space<vmem>>, vector<16xi32>,
    %get3A_314 = arith.constant 448 : index
    %get3A_315 = tpu.vector_load %arg7[%get3A_314] {strides = array<i32>} : memref<10000xi32, #tpu.memory_space<vmem>>, vector<16xi32>,
    %gather3A_316 = tpu.vector_load_idx %arg6[%get3A_315] : memref<10000xi32, #tpu.memory_space<vmem>>[vector<16xi32>], vector<16xi32>,
    %swap3A_317 = arith.constant 5 : i32
    %swap3A_318 = arith.index_cast %swap3A_317 : i32 to index
    %swap3A_319 = arith.constant 48 : index
    %swap3A_320 = tpu.vector_load %arg8[%swap3A_318, %swap3A_319] {strides = array<i32>} : memref<125x80xi32, #tpu.memory_space<vmem>>, vector<16xi32>,
    tpu.vector_store %arg8[%swap3A_318, %swap3A_319], %gather3A_316 {strides = array<i32>} : memref<125x80xi32, #tpu.memory_space<vmem>>, vector<16xi32>,
    %get3A_321 = arith.constant 464 : index
    %get3A_322 = tpu.vector_load %arg7[%get3A_321] {strides = array<i32>} : memref<10000xi32, #tpu.memory_space<vmem>>, vector<16xi32>,
    %gather3A_323 = tpu.vector_load_idx %arg6[%get3A_322] : memref<10000xi32, #tpu.memory_space<vmem>>[vector<16xi32>], vector<16xi32>,
    %swap3A_324 = arith.constant 5 : i32
    %swap3A_325 = arith.index_cast %swap3A_324 : i32 to index
    %swap3A_326 = arith.constant 64 : index
    %swap3A_327 = tpu.vector_load %arg8[%swap3A_325, %swap3A_326] {strides = array<i32>} : memref<125x80xi32, #tpu.memory_space<vmem>>, vector<16xi32>,
    tpu.vector_store %arg8[%swap3A_325, %swap3A_326], %gather3A_323 {strides = array<i32>} : memref<125x80xi32, #tpu.memory_space<vmem>>, vector<16xi32>,
    %barrier3A = arith.constant 0 : index
    tpu.barrier barrier_id(%barrier3A)
    %scan3A_328 = arith.constant 0 : i32
    %scan3A_329 = arith.constant 0 : i32
    %scan3A_330 = arith.constant 125 : i32
    %scan3A_331 = arith.addi %scan3A_329, %scan3A_330 : i32
    %scan3A_332 = arith.constant 1 : i32
    scf.for %scan3A_345 = %scan3A_329 to %scan3A_331 step %scan3A_332  : i32 {
      %rem3A = arith.constant 8 : i32
      %rem3A_346 = arith.remsi %scan3A_345, %rem3A : i32
      %add3A_347 = arith.constant 6 : i32
      %add3A_348 = arith.addi %scan3A_345, %add3A_347 : i32
      %rem3A_349 = arith.constant 8 : i32
      %rem3A_350 = arith.remsi %add3A_348, %rem3A_349 : i32
      %lt3A = arith.constant 125 : i32
      %lt3A_351 = arith.cmpi slt, %add3A_348, %lt3A : i32
      %convert_element_type3A = arith.extui %lt3A_351 : i1 to i32
      %cond3A = arith.constant 0 : i32
      %cond3A_352 = arith.cmpi ne, %convert_element_type3A, %cond3A : i32
      scf.if %cond3A_352 {
        %mul3A_387 = arith.constant 80 : i32
        %mul3A_388 = arith.muli %add3A_348, %mul3A_387 : i32
        %add3A_389 = arith.constant 0 : i32
        %add3A_390 = arith.addi %mul3A_388, %add3A_389 : i32
        %get3A_391 = arith.index_cast %add3A_390 : i32 to index
        %get3A_392 = tpu.vector_load %arg7[%get3A_391] {strides = array<i32>} : memref<10000xi32, #tpu.memory_space<vmem>>, vector<16xi32>,
        %gather3A_393 = tpu.vector_load_idx %arg6[%get3A_392] : memref<10000xi32, #tpu.memory_space<vmem>>[vector<16xi32>], vector<16xi32>,
        %swap3A_394 = arith.index_cast %add3A_348 : i32 to index
        %swap3A_395 = arith.constant 0 : index
        %swap3A_396 = tpu.vector_load %arg8[%swap3A_394, %swap3A_395] {strides = array<i32>} : memref<125x80xi32, #tpu.memory_space<vmem>>, vector<16xi32>,
        tpu.vector_store %arg8[%swap3A_394, %swap3A_395], %gather3A_393 {strides = array<i32>} : memref<125x80xi32, #tpu.memory_space<vmem>>, vector<16xi32>,
        %mul3A_397 = arith.constant 80 : i32
        %mul3A_398 = arith.muli %add3A_348, %mul3A_397 : i32
        %add3A_399 = arith.constant 16 : i32
        %add3A_400 = arith.addi %mul3A_398, %add3A_399 : i32
        %get3A_401 = arith.index_cast %add3A_400 : i32 to index
        %get3A_402 = tpu.vector_load %arg7[%get3A_401] {strides = array<i32>} : memref<10000xi32, #tpu.memory_space<vmem>>, vector<16xi32>,
        %gather3A_403 = tpu.vector_load_idx %arg6[%get3A_402] : memref<10000xi32, #tpu.memory_space<vmem>>[vector<16xi32>], vector<16xi32>,
        %swap3A_404 = arith.index_cast %add3A_348 : i32 to index
        %swap3A_405 = arith.constant 16 : index
        %swap3A_406 = tpu.vector_load %arg8[%swap3A_404, %swap3A_405] {strides = array<i32>} : memref<125x80xi32, #tpu.memory_space<vmem>>, vector<16xi32>,
        tpu.vector_store %arg8[%swap3A_404, %swap3A_405], %gather3A_403 {strides = array<i32>} : memref<125x80xi32, #tpu.memory_space<vmem>>, vector<16xi32>,
        %mul3A_407 = arith.constant 80 : i32
        %mul3A_408 = arith.muli %add3A_348, %mul3A_407 : i32
        %add3A_409 = arith.constant 32 : i32
        %add3A_410 = arith.addi %mul3A_408, %add3A_409 : i32
        %get3A_411 = arith.index_cast %add3A_410 : i32 to index
        %get3A_412 = tpu.vector_load %arg7[%get3A_411] {strides = array<i32>} : memref<10000xi32, #tpu.memory_space<vmem>>, vector<16xi32>,
        %gather3A_413 = tpu.vector_load_idx %arg6[%get3A_412] : memref<10000xi32, #tpu.memory_space<vmem>>[vector<16xi32>], vector<16xi32>,
        %swap3A_414 = arith.index_cast %add3A_348 : i32 to index
        %swap3A_415 = arith.constant 32 : index
        %swap3A_416 = tpu.vector_load %arg8[%swap3A_414, %swap3A_415] {strides = array<i32>} : memref<125x80xi32, #tpu.memory_space<vmem>>, vector<16xi32>,
        tpu.vector_store %arg8[%swap3A_414, %swap3A_415], %gather3A_413 {strides = array<i32>} : memref<125x80xi32, #tpu.memory_space<vmem>>, vector<16xi32>,
        %mul3A_417 = arith.constant 80 : i32
        %mul3A_418 = arith.muli %add3A_348, %mul3A_417 : i32
        %add3A_419 = arith.constant 48 : i32
        %add3A_420 = arith.addi %mul3A_418, %add3A_419 : i32
        %get3A_421 = arith.index_cast %add3A_420 : i32 to index
        %get3A_422 = tpu.vector_load %arg7[%get3A_421] {strides = array<i32>} : memref<10000xi32, #tpu.memory_space<vmem>>, vector<16xi32>,
        %gather3A_423 = tpu.vector_load_idx %arg6[%get3A_422] : memref<10000xi32, #tpu.memory_space<vmem>>[vector<16xi32>], vector<16xi32>,
        %swap3A_424 = arith.index_cast %add3A_348 : i32 to index
        %swap3A_425 = arith.constant 48 : index
        %swap3A_426 = tpu.vector_load %arg8[%swap3A_424, %swap3A_425] {strides = array<i32>} : memref<125x80xi32, #tpu.memory_space<vmem>>, vector<16xi32>,
        tpu.vector_store %arg8[%swap3A_424, %swap3A_425], %gather3A_423 {strides = array<i32>} : memref<125x80xi32, #tpu.memory_space<vmem>>, vector<16xi32>,
        %mul3A_427 = arith.constant 80 : i32
        %mul3A_428 = arith.muli %add3A_348, %mul3A_427 : i32
        %add3A_429 = arith.constant 64 : i32
        %add3A_430 = arith.addi %mul3A_428, %add3A_429 : i32
        %get3A_431 = arith.index_cast %add3A_430 : i32 to index
        %get3A_432 = tpu.vector_load %arg7[%get3A_431] {strides = array<i32>} : memref<10000xi32, #tpu.memory_space<vmem>>, vector<16xi32>,
        %gather3A_433 = tpu.vector_load_idx %arg6[%get3A_432] : memref<10000xi32, #tpu.memory_space<vmem>>[vector<16xi32>], vector<16xi32>,
        %swap3A_434 = arith.index_cast %add3A_348 : i32 to index
        %swap3A_435 = arith.constant 64 : index
        %swap3A_436 = tpu.vector_load %arg8[%swap3A_434, %swap3A_435] {strides = array<i32>} : memref<125x80xi32, #tpu.memory_space<vmem>>, vector<16xi32>,
        tpu.vector_store %arg8[%swap3A_434, %swap3A_435], %gather3A_433 {strides = array<i32>} : memref<125x80xi32, #tpu.memory_space<vmem>>, vector<16xi32>,
      } else {
      }
      %mul3A_353 = arith.constant 80 : i32
      %mul3A_354 = arith.muli %scan3A_345, %mul3A_353 : i32
      %add3A_355 = arith.addi %mul3A_2, %mul3A_354 : i32
      %dma_wait3A_356 = arith.constant 0 : i32
      %dma_wait3A_357 = arith.constant 0 : i32
      %dma_wait3A_358 = tpu.memref_slice %arg9[%rem3A_346, %dma_wait3A_356, %dma_wait3A_357] : memref<8x80x128xf32, #tpu.memory_space<vmem>> -> memref<1x80x128xf32, #tpu.memory_space<vmem>>
      %dma_wait3A_359 = tpu.memref_squeeze %dma_wait3A_358 : memref<1x80x128xf32, #tpu.memory_space<vmem>> -> memref<80x128xf32, #tpu.memory_space<vmem>>
      %dma_wait3A_360 = arith.constant 0 : i32
      %dma_wait3A_361 = tpu.memref_slice %arg2[%add3A_355, %dma_wait3A_360] : memref<320000x128xf32, #tpu.memory_space<hbm>> -> memref<80x128xf32, #tpu.memory_space<hbm>>
      %dma_wait3A_362 = tpu.memref_slice %arg11[%rem3A_346] : memref<8x!tpu.dma_semaphore, #tpu.memory_space<semaphore_mem>> -> memref<1x!tpu.dma_semaphore, #tpu.memory_space<semaphore_mem>>
      %dma_wait3A_363 = tpu.memref_squeeze %dma_wait3A_362 : memref<1x!tpu.dma_semaphore, #tpu.memory_space<semaphore_mem>> -> memref<!tpu.dma_semaphore, #tpu.memory_space<semaphore_mem>>
      %dma_wait3A_364 = arith.constant 0 : i32
      %dma_wait3A_365 = arith.constant 0 : i32
      %dma_wait3A_366 = tpu.memref_slice %arg9[%rem3A_346, %dma_wait3A_364, %dma_wait3A_365] : memref<8x80x128xf32, #tpu.memory_space<vmem>> -> memref<1x80x128xf32, #tpu.memory_space<vmem>>
      %dma_wait3A_367 = tpu.memref_squeeze %dma_wait3A_366 : memref<1x80x128xf32, #tpu.memory_space<vmem>> -> memref<80x128xf32, #tpu.memory_space<vmem>>
      %dma_wait3A_368 = arith.constant 0 : i32
      %dma_wait3A_369 = tpu.memref_slice %arg2[%add3A_355, %dma_wait3A_368] : memref<320000x128xf32, #tpu.memory_space<hbm>> -> memref<80x128xf32, #tpu.memory_space<hbm>>
      tpu.wait_dma2 semaphore(%dma_wait3A_363 : memref<!tpu.dma_semaphore, #tpu.memory_space<semaphore_mem>>) src(%dma_wait3A_369 : memref<80x128xf32, #tpu.memory_space<hbm>>) dst(%dma_wait3A_367 : memref<80x128xf32, #tpu.memory_space<vmem>>)
      %dma_start3A_370 = arith.constant 0 : i32
      %dma_start3A_371 = arith.constant 0 : i32
      %dma_start3A_372 = tpu.memref_slice %arg9[%rem3A_346, %dma_start3A_370, %dma_start3A_371] : memref<8x80x128xf32, #tpu.memory_space<vmem>> -> memref<1x80x128xf32, #tpu.memory_space<vmem>>
      %dma_start3A_373 = tpu.memref_squeeze %dma_start3A_372 : memref<1x80x128xf32, #tpu.memory_space<vmem>> -> memref<80x128xf32, #tpu.memory_space<vmem>>
      %dma_start3A_374 = arith.constant 0 : i32
      %dma_start3A_375 = tpu.memref_slice %arg8[%scan3A_345, %dma_start3A_374] : memref<125x80xi32, #tpu.memory_space<vmem>> -> memref<1x80xi32, #tpu.memory_space<vmem>>
      %dma_start3A_376 = tpu.memref_squeeze %dma_start3A_375 : memref<1x80xi32, #tpu.memory_space<vmem>> -> memref<80xi32, #tpu.memory_space<vmem>>
      %dma_start3A_377 = arith.constant 0 : i32
      %dma_start3A_378 = arith.constant 0 : i32
      %dma_start3A_379 = tpu.memref_slice %arg10[%dma_start3A_377, %dma_start3A_378] : memref<512x128xf32, #tpu.memory_space<vmem_shared>> -> memref<512x128xf32, #tpu.memory_space<vmem_shared>>
      %dma_start3A_380 = tpu.memref_slice %arg12[%rem3A_346] : memref<8x!tpu.dma_semaphore, #tpu.memory_space<semaphore_mem>> -> memref<1x!tpu.dma_semaphore, #tpu.memory_space<semaphore_mem>>
      %dma_start3A_381 = tpu.memref_squeeze %dma_start3A_380 : memref<1x!tpu.dma_semaphore, #tpu.memory_space<semaphore_mem>> -> memref<!tpu.dma_semaphore, #tpu.memory_space<semaphore_mem>>
      tpu.enqueue_indirect_dma source(%dma_start3A_373 : memref<80x128xf32, #tpu.memory_space<vmem>>) target(%dma_start3A_379 : memref<512x128xf32, #tpu.memory_space<vmem_shared>>) offsets(%dma_start3A_376 : memref<80xi32, #tpu.memory_space<vmem>>) semaphore(%dma_start3A_381 : memref<!tpu.dma_semaphore, #tpu.memory_space<semaphore_mem>>) {add = true}
      %lt3A_382 = arith.constant 125 : i32
      %lt3A_383 = arith.cmpi slt, %add3A_348, %lt3A_382 : i32
      %convert_element_type3A_384 = arith.extui %lt3A_383 : i1 to i32
      %cond3A_385 = arith.constant 0 : i32
      %cond3A_386 = arith.cmpi ne, %convert_element_type3A_384, %cond3A_385 : i32
      scf.if %cond3A_386 {
        %ge3A = arith.constant 8 : i32
        %ge3A_387 = arith.cmpi sge, %add3A_348, %ge3A : i32
        %convert_element_type3A_388 = arith.extui %ge3A_387 : i1 to i32
        %cond3A_389 = arith.constant 0 : i32
        %cond3A_390 = arith.cmpi ne, %convert_element_type3A_388, %cond3A_389 : i32
        scf.if %cond3A_390 {
          %dma_wait3A_408 = arith.constant 0 : i32
          %dma_wait3A_409 = arith.constant 0 : i32
          %dma_wait3A_410 = arith.constant 0 : i32
          %dma_wait3A_411 = tpu.memref_slice %arg9[%rem3A_350, %dma_wait3A_409, %dma_wait3A_410] : memref<8x80x128xf32, #tpu.memory_space<vmem>> -> memref<1x80x128xf32, #tpu.memory_space<vmem>>
          %dma_wait3A_412 = tpu.memref_squeeze %dma_wait3A_411 : memref<1x80x128xf32, #tpu.memory_space<vmem>> -> memref<80x128xf32, #tpu.memory_space<vmem>>
          %dma_wait3A_413 = arith.constant 0 : i32
          %dma_wait3A_414 = tpu.memref_slice %arg8[%dma_wait3A_408, %dma_wait3A_413] : memref<125x80xi32, #tpu.memory_space<vmem>> -> memref<1x80xi32, #tpu.memory_space<vmem>>
          %dma_wait3A_415 = tpu.memref_squeeze %dma_wait3A_414 : memref<1x80xi32, #tpu.memory_space<vmem>> -> memref<80xi32, #tpu.memory_space<vmem>>
          %dma_wait3A_416 = arith.constant 0 : i32
          %dma_wait3A_417 = arith.constant 0 : i32
          %dma_wait3A_418 = tpu.memref_slice %arg10[%dma_wait3A_416, %dma_wait3A_417] : memref<512x128xf32, #tpu.memory_space<vmem_shared>> -> memref<512x128xf32, #tpu.memory_space<vmem_shared>>
          %dma_wait3A_419 = tpu.memref_slice %arg12[%rem3A_350] : memref<8x!tpu.dma_semaphore, #tpu.memory_space<semaphore_mem>> -> memref<1x!tpu.dma_semaphore, #tpu.memory_space<semaphore_mem>>
          %dma_wait3A_420 = tpu.memref_squeeze %dma_wait3A_419 : memref<1x!tpu.dma_semaphore, #tpu.memory_space<semaphore_mem>> -> memref<!tpu.dma_semaphore, #tpu.memory_space<semaphore_mem>>
          tpu.wait_indirect_dma semaphore(%dma_wait3A_420 : memref<!tpu.dma_semaphore, #tpu.memory_space<semaphore_mem>>) src(%dma_wait3A_412 : memref<80x128xf32, #tpu.memory_space<vmem>>) dst(%dma_wait3A_418 : memref<512x128xf32, #tpu.memory_space<vmem_shared>>)
        } else {
        }
        %mul3A_391 = arith.constant 80 : i32
        %mul3A_392 = arith.muli %add3A_348, %mul3A_391 : i32
        %add3A_393 = arith.addi %mul3A_2, %mul3A_392 : i32
        %dma_start3A_394 = arith.constant 0 : i32
        %dma_start3A_395 = arith.constant 0 : i32
        %dma_start3A_396 = tpu.memref_slice %arg9[%rem3A_350, %dma_start3A_394, %dma_start3A_395] : memref<8x80x128xf32, #tpu.memory_space<vmem>> -> memref<1x80x128xf32, #tpu.memory_space<vmem>>
        %dma_start3A_397 = tpu.memref_squeeze %dma_start3A_396 : memref<1x80x128xf32, #tpu.memory_space<vmem>> -> memref<80x128xf32, #tpu.memory_space<vmem>>
        %dma_start3A_398 = arith.constant 0 : i32
        %dma_start3A_399 = tpu.memref_slice %arg2[%add3A_393, %dma_start3A_398] : memref<320000x128xf32, #tpu.memory_space<hbm>> -> memref<80x128xf32, #tpu.memory_space<hbm>>
        %dma_start3A_400 = tpu.memref_slice %arg11[%rem3A_350] : memref<8x!tpu.dma_semaphore, #tpu.memory_space<semaphore_mem>> -> memref<1x!tpu.dma_semaphore, #tpu.memory_space<semaphore_mem>>
        %dma_start3A_401 = tpu.memref_squeeze %dma_start3A_400 : memref<1x!tpu.dma_semaphore, #tpu.memory_space<semaphore_mem>> -> memref<!tpu.dma_semaphore, #tpu.memory_space<semaphore_mem>>
        %dma_start3A_402 = arith.constant 0 : i32
        %dma_start3A_403 = arith.constant 0 : i32
        %dma_start3A_404 = tpu.memref_slice %arg9[%rem3A_350, %dma_start3A_402, %dma_start3A_403] : memref<8x80x128xf32, #tpu.memory_space<vmem>> -> memref<1x80x128xf32, #tpu.memory_space<vmem>>
        %dma_start3A_405 = tpu.memref_squeeze %dma_start3A_404 : memref<1x80x128xf32, #tpu.memory_space<vmem>> -> memref<80x128xf32, #tpu.memory_space<vmem>>
        %dma_start3A_406 = arith.constant 0 : i32
        %dma_start3A_407 = tpu.memref_slice %arg2[%add3A_393, %dma_start3A_406] : memref<320000x128xf32, #tpu.memory_space<hbm>> -> memref<80x128xf32, #tpu.memory_space<hbm>>
        tpu.enqueue_dma source(%dma_start3A_407 : memref<80x128xf32, #tpu.memory_space<hbm>>) target(%dma_start3A_405 : memref<80x128xf32, #tpu.memory_space<vmem>>) target_semaphore(%dma_start3A_401 : memref<!tpu.dma_semaphore, #tpu.memory_space<semaphore_mem>>)
      } else {
      }
    }
    %scan3A_333 = arith.constant 125 : i32
    %scan3A_334 = arith.constant 0 : i32
    %scan3A_335 = arith.constant 117 : i32
    %scan3A_336 = arith.constant 8 : i32
    %scan3A_337 = arith.addi %scan3A_335, %scan3A_336 : i32
    %scan3A_338 = arith.constant 1 : i32
    scf.for %scan3A_345 = %scan3A_335 to %scan3A_337 step %scan3A_338  : i32 {
      %rem3A = arith.constant 8 : i32
      %rem3A_346 = arith.remsi %scan3A_345, %rem3A : i32
      %rem3A_347 = arith.constant 8 : i32
      %rem3A_348 = arith.remsi %scan3A_345, %rem3A_347 : i32
      %dma_wait3A_349 = arith.constant 0 : i32
      %dma_wait3A_350 = arith.constant 0 : i32
      %dma_wait3A_351 = arith.constant 0 : i32
      %dma_wait3A_352 = tpu.memref_slice %arg9[%rem3A_346, %dma_wait3A_350, %dma_wait3A_351] : memref<8x80x128xf32, #tpu.memory_space<vmem>> -> memref<1x80x128xf32, #tpu.memory_space<vmem>>
      %dma_wait3A_353 = tpu.memref_squeeze %dma_wait3A_352 : memref<1x80x128xf32, #tpu.memory_space<vmem>> -> memref<80x128xf32, #tpu.memory_space<vmem>>
      %dma_wait3A_354 = arith.constant 0 : i32
      %dma_wait3A_355 = tpu.memref_slice %arg8[%dma_wait3A_349, %dma_wait3A_354] : memref<125x80xi32, #tpu.memory_space<vmem>> -> memref<1x80xi32, #tpu.memory_space<vmem>>
      %dma_wait3A_356 = tpu.memref_squeeze %dma_wait3A_355 : memref<1x80xi32, #tpu.memory_space<vmem>> -> memref<80xi32, #tpu.memory_space<vmem>>
      %dma_wait3A_357 = arith.constant 0 : i32
      %dma_wait3A_358 = arith.constant 0 : i32
      %dma_wait3A_359 = tpu.memref_slice %arg10[%dma_wait3A_357, %dma_wait3A_358] : memref<512x128xf32, #tpu.memory_space<vmem_shared>> -> memref<512x128xf32, #tpu.memory_space<vmem_shared>>
      %dma_wait3A_360 = tpu.memref_slice %arg12[%rem3A_348] : memref<8x!tpu.dma_semaphore, #tpu.memory_space<semaphore_mem>> -> memref<1x!tpu.dma_semaphore, #tpu.memory_space<semaphore_mem>>
      %dma_wait3A_361 = tpu.memref_squeeze %dma_wait3A_360 : memref<1x!tpu.dma_semaphore, #tpu.memory_space<semaphore_mem>> -> memref<!tpu.dma_semaphore, #tpu.memory_space<semaphore_mem>>
      tpu.wait_indirect_dma semaphore(%dma_wait3A_361 : memref<!tpu.dma_semaphore, #tpu.memory_space<semaphore_mem>>) src(%dma_wait3A_353 : memref<80x128xf32, #tpu.memory_space<vmem>>) dst(%dma_wait3A_359 : memref<512x128xf32, #tpu.memory_space<vmem_shared>>)
    }
    %scan3A_339 = arith.constant 8 : i32
    %barrier3A_340 = arith.constant 0 : index
    tpu.barrier barrier_id(%barrier3A_340)
    %mul3A_341 = arith.constant 32 : i32
    %mul3A_342 = arith.muli %arg1, %mul3A_341 : i32
    %mul3A_343 = arith.constant 32 : i32
    %mul3A_344 = arith.muli %arg1, %mul3A_343 : i32
    "tpu.region"() ({
      %run_scoped3A_345 = tpu.sem_alloc : memref<!tpu.dma_semaphore, #tpu.memory_space<semaphore_mem>>
      %dma_start3A_346 = arith.constant 0 : i32
      %dma_start3A_347 = tpu.memref_slice %arg5[%arg0, %mul3A_344, %dma_start3A_346] : memref<2x512x128xf32, #tpu.memory_space<hbm>> -> memref<1x32x128xf32, #tpu.memory_space<hbm>>
      %dma_start3A_348 = tpu.memref_squeeze %dma_start3A_347 : memref<1x32x128xf32, #tpu.memory_space<hbm>> -> memref<32x128xf32, #tpu.memory_space<hbm>>
      %dma_start3A_349 = arith.constant 0 : i32
      %dma_start3A_350 = tpu.memref_slice %arg10[%mul3A_342, %dma_start3A_349] : memref<512x128xf32, #tpu.memory_space<vmem_shared>> -> memref<32x128xf32, #tpu.memory_space<vmem_shared>>
      tpu.enqueue_dma source(%dma_start3A_350 : memref<32x128xf32, #tpu.memory_space<vmem_shared>>) target(%dma_start3A_348 : memref<32x128xf32, #tpu.memory_space<hbm>>) target_semaphore(%run_scoped3A_345 : memref<!tpu.dma_semaphore, #tpu.memory_space<semaphore_mem>>)
      %dma_wait3A_351 = arith.constant 0 : i32
      %dma_wait3A_352 = tpu.memref_slice %arg5[%arg0, %mul3A_344, %dma_wait3A_351] : memref<2x512x128xf32, #tpu.memory_space<hbm>> -> memref<1x32x128xf32, #tpu.memory_space<hbm>>
      %dma_wait3A_353 = tpu.memref_squeeze %dma_wait3A_352 : memref<1x32x128xf32, #tpu.memory_space<hbm>> -> memref<32x128xf32, #tpu.memory_space<hbm>>
      %dma_wait3A_354 = arith.constant 0 : i32
      %dma_wait3A_355 = tpu.memref_slice %arg10[%mul3A_342, %dma_wait3A_354] : memref<512x128xf32, #tpu.memory_space<vmem_shared>> -> memref<32x128xf32, #tpu.memory_space<vmem_shared>>
      tpu.wait_dma2 semaphore(%run_scoped3A_345 : memref<!tpu.dma_semaphore, #tpu.memory_space<semaphore_mem>>) src(%dma_wait3A_355 : memref<32x128xf32, #tpu.memory_space<vmem_shared>>) dst(%dma_wait3A_353 : memref<32x128xf32, #tpu.memory_space<hbm>>)
      tpu.yield
    }) : () -> ()
    return
  }
}

</mosaic_0001>

<sc_bundles>
// kernel: kernel.3.cloned.1.call-start
scs
__scs_entry_jumppad:
0x0: {  	(pc) =	sbr.rel $0x88, $3  }
0x1: {  	(tag) =	ssettag $0x0;
	lr =	simm.s32 $0x1  }
0x2: {  	[smem:$0x3F9E] =	sst lr;
	_ =	strace $0xD0000000  }
0x3: {  	_ = 	snop  }
0x4: {  	_ = 	snop  }
0x5: {  	_ = 	snop  }
0x6: {  	_ = 	snop  }
0x7: {  	_ = 	snop  }
__scs_overlays_trampoline_lowered:
0x8: {  	[smem:$0x3FAD] =	sst s0  }
0x9: {  	[smem:$0x3FAE] =	sst s1  }
0xa: {  	[smem:$0x3FAF] =	sst s2  }
0xb: {  	[smem:$0x3FB0] =	sst s3  }
0xc: {  	[smem:$0x3FB1] =	sst s4  }
0xd: {  	[smem:$0x3FB2] =	sst s5  }
0xe: {  	[smem:$0x3FB3] =	sst s6  }
0xf: {  	[smem:$0x3FB4] =	sst s7  }
0x10: {  	[smem:$0x3FB5] =	sst s8  }
0x11: {  	[smem:$0x3FB6] =	sst s9;
	s0 =	simm.s32 @!p0 $0x0  }
0x12: {  	s1 =	sld [smem:$0x3F9C];
	s0 =	simm.s32 @p0 $0x1  }
0x13: {  	[smem:$0x3FB7] =	sst s0;
	s0 =	simm.s32 @!p1 $0x0  }
0x14: {  	s2 =	sld [smem:$0x3F9B];
	s0 =	simm.s32 @p1 $0x1  }
0x15: {  	[smem:$0x3FB8] =	sst s0;
	s0 =	simm.s32 @!p2 $0x0  }
0x16: {  	s3 =	sld [smem:$0x3FDB];
	s0 =	simm.s32 @p2 $0x1  }
0x17: {  	s4 =	simm.s32 $0x1BF5;
	[smem:$0x3FBA] =	sst s0  }
0x18: {  	s0 =	sld [smem:$0x3F9D];
	_ =	swait.ge [sflag:s4], $0x0  }
0x19: {  	s7 =	sld [smem:$0x3F9E]  }
0x1a: {  	s8 =	sadd.s32 $0xFFFFE003, lr  }
0x1b: {  	s9 =	sadd.s32 $0xFFFFFEF7, lr;
	s5 =	simm.s32 $0xFFFFFFFF;
	p2 =	slt.u32 s8, $0xFFFFF086  }
0x1c: {  	p1 =	slt.u32 s9, $0xF7A;
	s5 =	simm.s32 @!p2 $0x0  }
0x1d: {  	s5 =	simm.s32 @p1 $0x1;
	p0 =	seq.s32 s7, s2  }
0x1e: {  	s7 =	smul.u32 @!p0 $0xF7A, s2;
	p2 =	seq.s32 @!p0 s5, $0x0  }
0x1f: {  	s9 =	smul.u32 $0xF7A, s1;
	s8 =	simm.s32 @!p0 $0x1BF5;
	p2 =	por !p2, p0  }
0x20: {  	[sflag:s8] =	ssyncset.s32 @!p0 $0xFFFFF086;
	s6 =	sadd.s32 @!p0 s3, s7;
	s7 =	simm.s32 @!p0 $0x108  }
0x21: {  	s3 =	sadd.s32 s3, s9;
	s6 =	sadd.s32 @!p0 $0x88, s6;
	s7 =	simm.s32 @p2 $0x1082  }
0x22: {  	[simem:s7], [sflag:s8] =	dma.local @!p0 [hbm:s6], $0xF7A  }
0x23: {  	s9 =	sor.u32 $0xD0000000, s2;
	s6 =	simm.s32 $0x108;
	_ =	swait.ge @!p0 [sflag:s8], $0x0  }
0x24: {  	s3 =	sadd.s32 $0x88, s3;
	s6 =	simm.s32 @!p1 $0x1082;
	[sflag:s4] =	ssyncset.s32 $0xFFFFF086  }
0x25: {  	[simem:s6], [sflag:s4] =	dma.local [hbm:s3], $0xF7A  }
0x26: {  	[smem:$0x3F9E] =	sst s1;
	(tag) =	ssettag s2;
	_ =	strace s9  }
0x27: {  	s1 =	sld [smem:$0x3FAE]  }
0x28: {  	s2 =	sld [smem:$0x3FAF]  }
0x29: {  	s4 =	sld [smem:$0x3FB1]  }
0x2a: {  	p0 =	seq.s32 s5, $0x0;
	s5 =	sld [smem:$0x3FB2]  }
0x2b: {  	s6 =	sld [smem:$0x3FB3]  }
0x2c: {  	s7 =	sld [smem:$0x3FB4]  }
0x2d: {  	s3 =	simm.s32 $0x108;
	s8 =	sld [smem:$0x3FB5]  }
0x2e: {  	s3 =	simm.s32 @!p0 $0x1082;
	s9 =	sld [smem:$0x3FB6]  }
0x2f: {  	lr =	sadd.s32 s0, s3;
	s0 =	sld [smem:$0x3FAD]  }
0x30: {  	s3 =	sld [smem:$0x3FB0]  }
0x31: {  	[smem:$0x3FB9] =	sst s10  }
0x32: {  	s10 =	sld [smem:$0x3FB7];
	_ =	sdelay $0x3  }
0x33: {  	p0 =	seq.s32 s10, $0x1;
	s10 =	sld [smem:$0x3FB9];
	_ =	sdelay $0x3  }
0x34: {  	[smem:$0x3FB9] =	sst s10  }
0x35: {  	s10 =	sld [smem:$0x3FB8];
	_ =	sdelay $0x3  }
0x36: {  	p1 =	seq.s32 s10, $0x1;
	s10 =	sld [smem:$0x3FB9];
	_ =	sdelay $0x3  }
0x37: {  	[smem:$0x3FB9] =	sst s10  }
0x38: {  	s10 =	sld [smem:$0x3FBA]  }
0x39: {  	_ = 	snop;
	(pc) =	sbr.ind lr, $3  }
0x3a: {  	_ = 	snop  }
0x3b: {  	_ = 	snop  }
0x3c: {  	p2 =	seq.s32 s10, $0x1;
	s10 =	sld [smem:$0x3FB9]  }
0x3d: {  	_ =	shalt  }
0x3e: {  	_ =	shalt  }
0x3f: {  	_ =	shalt  }
0x40: {  	_ =	shalt  }
0x41: {  	_ =	shalt  }
0x42: {  	_ =	shalt  }
0x43: {  	_ =	shalt  }
0x44: {  	_ =	shalt  }
0x45: {  	_ =	shalt  }
0x46: {  	_ =	shalt  }
0x47: {  	_ =	shalt  }
0x48: {  	_ =	shalt  }
0x49: {  	_ =	shalt  }
0x4a: {  	_ =	shalt  }
0x4b: {  	_ =	shalt  }
0x4c: {  	_ =	shalt  }
0x4d: {  	_ =	shalt  }
0x4e: {  	_ =	shalt  }
0x4f: {  	_ =	shalt  }
0x50: {  	_ =	shalt  }
0x51: {  	_ =	shalt  }
0x52: {  	_ =	shalt  }
0x53: {  	_ =	shalt  }
0x54: {  	_ =	shalt  }
0x55: {  	_ =	shalt  }
0x56: {  	_ =	shalt  }
0x57: {  	_ =	shalt  }
0x58: {  	_ =	shalt  }
0x59: {  	_ =	shalt  }
0x5a: {  	_ =	shalt  }
0x5b: {  	_ =	shalt  }
0x5c: {  	_ =	shalt  }
0x5d: {  	_ =	shalt  }
0x5e: {  	_ =	shalt  }
0x5f: {  	_ =	shalt  }
0x60: {  	_ =	shalt  }
0x61: {  	_ =	shalt  }
0x62: {  	_ =	shalt  }
0x63: {  	_ =	shalt  }
0x64: {  	_ =	shalt  }
0x65: {  	_ =	shalt  }
0x66: {  	_ =	shalt  }
0x67: {  	_ =	shalt  }
0x68: {  	_ =	shalt  }
0x69: {  	_ =	shalt  }
0x6a: {  	_ =	shalt  }
0x6b: {  	_ =	shalt  }
0x6c: {  	_ =	shalt  }
0x6d: {  	_ =	shalt  }
0x6e: {  	_ =	shalt  }
0x6f: {  	_ =	shalt  }
0x70: {  	_ =	shalt  }
0x71: {  	_ =	shalt  }
0x72: {  	_ =	shalt  }
0x73: {  	_ =	shalt  }
0x74: {  	_ =	shalt  }
0x75: {  	_ =	shalt  }
0x76: {  	_ =	shalt  }
0x77: {  	_ =	shalt  }
0x78: {  	_ =	shalt  }
0x79: {  	_ =	shalt  }
0x7a: {  	_ =	shalt  }
0x7b: {  	_ =	shalt  }
0x7c: {  	_ =	shalt  }
0x7d: {  	_ =	shalt  }
0x7e: {  	_ =	shalt  }
0x7f: {  	_ =	shalt  }
0x80: {  	_ =	shalt  }
0x81: {  	_ =	shalt  }
0x82: {  	_ =	shalt  }
0x83: {  	_ =	shalt  }
0x84: {  	_ =	shalt  }
0x85: {  	_ =	shalt  }
0x86: {  	_ =	shalt  }
0x87: {  	_ =	shalt  }
.Lfunc_end0:
.L_simem_size_0:
called_computation_lowered:
.L_overlay_start_0:
0x88: {  	s2 =	sld [smem:$0x3FD9]  }
0x89: {  	s3 =	sld [smem:$0x3FFE];
	_ =	sdelay $0x1  }
0x8a: {  	s1 =	srdreg.scid  }
0x8b: {  	s0 =	sand.u32 $0x1, s1  }
0x8c: {  	s17 =	sshll.u32 s0, $0xA;
	s2 =	sadd.s32 s3, s2  }
0x8d: {  	s2 =	sadd.s32 s2, s17  }
0x8e: {  	[smem:$0x3FC5] =	sst s2  }
0x8f: {  	_ = 	snop  }
0x90: {  	s2 =	sld [smem:$0x3FC9]  }
0x91: {  	s18 =	sld [smem:$0x3FC8]  }
0x92: {  	s4 =	sld [smem:$0x3FC7];
	(tm) =	ssettm $0x1  }
0x93: {  	s5 =	sld [smem:$0x3FFB];
	_ =	sdelay $0x3  }
0x94: {  	_ =	strace s5  }
0x95: {  	s5 =	sld [smem:$0x3FFC];
	_ =	sdelay $0x3  }
0x96: {  	_ =	strace s5  }
0x97: {  	s5 =	sld [smem:$0x3FFD];
	_ =	sdelay $0x3  }
0x98: {  	_ =	strace s5  }
0x99: {  	_ =	strace $0x8FFFFFFF  }
0x9a: {  	s19 =	sld [smem:$0x3FDB];
	_ =	sdelay $0x1  }
0x9b: {  	s6 =	simm.s32 $_scs_section_size  }
0x9c: {  	s7 =	simm.s32 $_size__tile_overlayer_lowered;
	s8 =	simm.s32 $_tile_overlayer_lowered  }
0x9d: {  	s22 =	simm.s32 $0x1BFF;
	s21 =	sshll.u32 s8, $0x1;
	s5 =	sadd.s32 s6, s19  }
0x9e: {  	s9 =	simm.s32 $0x0;
	s20 =	sshll.u32 s7, $0x1;
	s7 =	sadd.s32 s21, s5  }
0x9f: {  	[timem:s9], [sflag:s22] =	dma.local [hbm:s7], s20  }
0xa0: {  	_ =	swait.ge [sflag:s22], s20  }
0xa1: {  	s6 =	ssub.s32 $0x0, s20;
	[sflag:s22] =	ssyncset.done $0x0  }
0xa2: {  	[sflag:s22] =	ssyncadd.s32 s6;
	_ =	sdelay $0x1  }
0xa3: {  	s23 =	simm.s32 $0x1B8B  }
0xa4: {  	_ =	swait.ge [sflag:s23], $0x1  }
0xa5: {  	[sflag:s23] =	ssyncset.done $0x0  }
0xa6: {  	s25 =	simm.s32 $0x1B8E;
	s24 =	sld [smem:$0x3FFE];
	[sflag:s23] =	ssyncadd.s32 $0xFFFFFFFF  }
0xa7: {  	s26 =	simm.s32 $execute0_lowered;
	[smem:$0x3FD2] =	sst s25  }
0xa8: {  	s7 =	sshll.u32 s26, $0x1;
	_ =	strace $0x80000046;
	[dreg:$0x1] =	wrdreg $0xFFFFFFFF  }
0xa9: {  	s28 =	simm.s32 $_size_execute0_lowered;
	s5 =	sadd.s32 s5, s7;
	[dreg:$0x0] =	wrdreg $0x0  }
0xaa: {  	s7 =	sshll.u32 s28, $0x1;
	[dreg:$0x2] =	wrdreg s5  }
0xab: {  	[dreg:$0x3] =	wrdreg s7  }
0xac: {  	[dreg:$0x4] =	wrdreg $0xC0  }
0xad: {  	_ =	task [dreg:s9], $0x5FFFF  }
0xae: {  	[dreg:$0x1] =	wrdreg $0xFFFFFFFF  }
0xaf: {  	[dreg:$0x0] =	wrdreg $0x60  }
0xb0: {  	[dreg:$0x2] =	wrdreg s2  }
0xb1: {  	[dreg:$0x3] =	wrdreg s18  }
0xb2: {  	[dreg:$0x4] =	wrdreg s4  }
0xb3: {  	[dreg:$0x5] =	wrdreg s24  }
0xb4: {  	[dreg:$0x6] =	wrdreg $0x1CF000  }
0xb5: {  	[dreg:$0x7] =	wrdreg $0x9  }
0xb6: {  	_ =	task.clear_ibuf [dreg:s9], $0x8FFFF;
	_ =	strace $0x90000046  }
0xb7: {  	s29 =	simm.s32 $0x9;
	_ =	strace $0x80000048  }
0xb8: {  	_ =	swait.ge [sflag:s29], $0x1  }
0xb9: {  	[sflag:s29] =	ssyncadd.s32 $0xFFFFFFFF  }
0xba: {  	_ =	strace $0x90000048  }
0xbb: {  	_ =	sfence  }
0xbc: {  	s30 =	sld [smem:$0x0];
	_ =	sdelay $0x2  }
0xbd: {  	s31 =	sshll.u32 s1, $0xD;
	s1 =	sshrl.u32 s1, $0x2  }
0xbe: {  	s3 =	sand.u32 $0x4000, s31;
	s1 =	sadd.s32 s1, s30  }
0xbf: {  	s0 =	sor.u32 s3, s0;
	s1 =	sshll.u32 s1, $0x11  }
0xc0: {  	s0 =	sor.u32 s1, s0  }
0xc1: {  	s0 =	sadd.s32 $0x8F2B, s0  }
0xc2: {  	[sflag:s0] =	ssyncadd.remote.s32 $0x1  }
0xc3: {  	_ =	sfence.sel $0xFFFF  }
0xc4: {  	[dreg:$0x0] =	wrdreg $0xFFFFFFFF;
	(pc) =	sbr.abs _section_cstart, $3  }
0xc5: {  	[dreg:$0x1] =	wrdreg $0xFFFFFFFF  }
0xc6: {  	_ =	task.clear_ibuf [dreg:s9], $0x2FFFF;
	_ =	strace $0x9FFFFFFF  }
0xc7: {  	(tm) =	ssettm $0x7FFFFFFF  }
tec
execute0_lowered:
.L_overlay_start_1:
0x0: {  	(tag) =	ssettag $0x1  }
0x1: {  	s0 =	rddreg [dreg:$0x0]  }
0x2: {  	s1 =	rddreg [dreg:$0x2]  }
0x3: {  	s2 =	rddreg [dreg:$0x3]  }
0x4: {  	s3 =	rddreg [dreg:$0x4]  }
0x5: {  	s11 =	stileid.u32;
	s5 =	srdreg.scid;
	s4 =	simm.s32 $0x0  }
0x6: {  	s17 =	simm.s32 $0x8F00;
	s18 =	simm.s32 $0x12;
	s19 =	simm.s32 $0x11  }
0x7: {  	s28 =	simm.s32 $0x10;
	s29 =	simm.s32 $0x9;
	s30 =	simm.s32 $0xA  }
0x8: {  	s31 =	simm.s32 $0xB;
	s12 =	sand.u32 $0x1, s5;
	s20 =	sshll.u32 s11, $0x1  }
0x9: {  	[smem:$0x7FF] =	sst s4;
	s8 =	sshll.u32 s11, $0x9;
	s13 =	smul.u32 $0x4E200, s11  }
0xa: {  	s22 =	sshll.u32 s11, $0xC;
	s5 =	sor.u32 s12, s20;
	s15 =	smul.u32 $0x27100, s12  }
0xb: {  	_ =	strace $0x80000047;
	s6 =	ssub.s32 $0x2, s12;
	s7 =	smul.u32 $0x2710, s5  }
0xc: {  	s2 =	sadd.s32 s8, s2;
	s16 =	sshll.u32 s12, $0xD;
	s10 =	smul.u32 $0x138800, s5  }
0xd: {  	s9 =	sshrl.u32 s6, $0x1;
	s23 =	smul.u32 $0x27100, s5;
	s26 =	sadd.s32 s16, s2  }
0xe: {  	s16 =	simm.s32 $0x0;
	s14 =	ssub.s32 s6, s9;
	s6 =	sadd.s32 s22, s3  }
0xf: {  	s21 =	sshrl.u32 s7, $0x3;
	s24 =	sshrl.u32 s10, $0x3;
	s5 =	sadd.s32 s0, s23  }
0x10: {  	s14 =	smax.u32 s14, $0x1;
	s1 =	sadd.s32 s1, s21;
	s25 =	sadd.s32 s0, s24  }
0x11: {  	[dreg:$0x7] =	wrdreg s5;
	s0 =	sadd.s32 s13, s0;
	s13 =	sadd.s32 $0x400, s26  }
0x12: {  	s26 =	simm.s32 $0xF;
	[dreg:$0x6] =	wrdreg s1;
	s8 =	sadd.s32 $0x500, s25  }
0x13: {  	s9 =	sadd.s32 $0xA00, s25;
	s10 =	sadd.s32 $0xF00, s25;
	s11 =	sadd.s32 $0x1400, s25  }
0x14: {  	s12 =	sadd.s32 $0x1900, s25;
	s0 =	sadd.s32 s15, s0;
	s25 =	simm.s32 $0xE  }
0x15: {  	v0 =	vimm.f32 $0.0e+00;
	s1 =	simm.s32 $0xD;
	s22 =	sadd.s32 $0x1E00, s0;
	s0 =	simm.s32 $0xC  }
.LBB2_1:
0x16: {  	s2 =	rddreg [dreg:$0x1]  }
0x17: {  	s23 =	rddreg [dreg:$0x6];
	s24 =	sand.u32 $0x3E00, s4  }
0x18: {  	[tilespmem:s4], [sflag:$0x11] =	stream.linear.gather [hbm4b:s2+s4], $0x2780, $0x38;
	[tilespmem:$0x1DF00] =	vst v63  }
0x19: {  	s5 =	simm.s32 $0x2780;
	s15 =	sand.u32 $0x70, s4;
	s20 =	sshrl.u32 s24, $0x2  }
0x1a: {  	s2 =	simm.s32 $0x40;
	s20 =	sor.u32 s15, s20;
	s15 =	simm.s32 $0x0  }
0x1b: {  	[tilespmem:s5], [sflag:$0x11] =	stream.linear.gather [hbm4b:s23+s4], $0x2710, $0x38;
	[tilespmem:$0x1DF00] =	vst v63  }
.LBB2_2:
0x1c: {  	p0 =	sne.s32 s2, $0x3FC0  }
0x1d: {  	[tilespmem:s20+$0x8F00] =	vst v0;
	s15 =	sadd.s32 $0x10, s15;
	s20 =	smov.u32 s2;
	s2 =	sadd.s32 $0x40, s2  }
.Ltmp0:
0x1e: {  	(pc) =	sbr.rel @p0 .LBB2_2-.Ltmp0, $4  }
0x1f: {  	_ = 	snop  }
0x20: {  	s20 =	sand.u32 $0x3E00, s20  }
0x21: {  	s21 =	sand.u32 $0x70, s15;
	s20 =	sshrl.u32 s20, $0x2  }
0x22: {  	s20 =	sor.u32 s21, s20  }
0x23: {  	[tilespmem:s20+$0x8F00] =	vst v0  }
0x24: {  	[spmem:s6] =	stream.linear.scatter [tilespmem:s17], [sflag:$0x12], $0x1000, $0x38;
	[tilespmem:$0x1DF00] =	vst v63  }
0x25: {  	_ =	swait.ge [sflag:s18], $0x1000  }
0x26: {  	[sflag:s18] =	ssyncset.done $0x0  }
0x27: {  	[sflag:s18] =	ssyncadd.s32 $0xFFFFF000  }
0x28: {  	_ =	swait.ge [sflag:s19], $0x2780  }
0x29: {  	[sflag:s19] =	ssyncset.done $0x0  }
0x2a: {  	[sflag:s19] =	ssyncadd.s32 $0xFFFFD880  }
0x2b: {  	_ =	swait.ge [sflag:s19], $0x2710  }
0x2c: {  	[sflag:s19] =	ssyncset.done $0x0  }
0x2d: {  	s2 =	simm.s32 $0x0;
	s5 =	rddreg [dreg:$0x7];
	[sflag:s19] =	ssyncadd.s32 $0xFFFFD8F0  }
0x2e: {  	[tilespmem:s17], [sflag:$0x1] =	stream.linear.gather [hbm4b:s5+s2], $0x2800, $0x38;
	[tilespmem:$0x1DF00] =	vst v63  }
0x2f: {  	v1 =	vld [tilespmem:$0x2780];
	_ =	sdelay $0x5  }
0x30: {  	v2 =	vld [tilespmem:$0x2790];
	_ =	sdelay $0x1  }
0x31: {  	v1 =	vld.idx.msk [tilespmem:v1+s2+$0x0], $0xffff;
	_ =	sdelay $0x3  }
0x32: {  	v3 =	vld [tilespmem:$0x27A0]  }
0x33: {  	[tilespmem:$0x4F00] =	vst v1  }
0x34: {  	v1 =	vld.idx.msk [tilespmem:v2+s2+$0x0], $0xffff;
	_ =	sdelay $0x3  }
0x35: {  	v2 =	vld [tilespmem:$0x27B0]  }
0x36: {  	[tilespmem:$0x4F10] =	vst v1  }
0x37: {  	v1 =	vld.idx.msk [tilespmem:v3+s2+$0x0], $0xffff;
	_ =	sdelay $0x3  }
0x38: {  	v3 =	vld [tilespmem:$0x27C0]  }
0x39: {  	[tilespmem:$0x4F20] =	vst v1  }
0x3a: {  	v1 =	vld.idx.msk [tilespmem:v2+s2+$0x0], $0xffff;
	_ =	sdelay $0x4  }
0x3b: {  	[tilespmem:$0x4F30] =	vst v1  }
0x3c: {  	v1 =	vld.idx.msk [tilespmem:v3+s2+$0x0], $0xffff;
	_ =	sdelay $0x4  }
0x3d: {  	s15 =	simm.s32 $0xB700;
	[tilespmem:$0x4F40] =	vst v1  }
0x3e: {  	[tilespmem:s15], [sflag:$0x2] =	stream.linear.gather [hbm4b:s8+s2], $0x2800, $0x38;
	[tilespmem:$0x1DF00] =	vst v63  }
0x3f: {  	v1 =	vld [tilespmem:$0x27D0];
	_ =	sdelay $0x5  }
0x40: {  	v2 =	vld [tilespmem:$0x27E0];
	_ =	sdelay $0x1  }
0x41: {  	v1 =	vld.idx.msk [tilespmem:v1+s2+$0x0], $0xffff;
	_ =	sdelay $0x3  }
0x42: {  	v3 =	vld [tilespmem:$0x27F0]  }
0x43: {  	[tilespmem:$0x4F80] =	vst v1  }
0x44: {  	v1 =	vld.idx.msk [tilespmem:v2+s2+$0x0], $0xffff;
	_ =	sdelay $0x3  }
0x45: {  	v2 =	vld [tilespmem:$0x2800]  }
0x46: {  	[tilespmem:$0x4F90] =	vst v1  }
0x47: {  	v1 =	vld.idx.msk [tilespmem:v3+s2+$0x0], $0xffff;
	_ =	sdelay $0x3  }
0x48: {  	v3 =	vld [tilespmem:$0x2810]  }
0x49: {  	[tilespmem:$0x4FA0] =	vst v1  }
0x4a: {  	v1 =	vld.idx.msk [tilespmem:v2+s2+$0x0], $0xffff;
	_ =	sdelay $0x4  }
0x4b: {  	[tilespmem:$0x4FB0] =	vst v1  }
0x4c: {  	v1 =	vld.idx.msk [tilespmem:v3+s2+$0x0], $0xffff;
	_ =	sdelay $0x4  }
0x4d: {  	s20 =	simm.s32 $0xDF00;
	[tilespmem:$0x4FC0] =	vst v1  }
0x4e: {  	[tilespmem:s20], [sflag:$0x3] =	stream.linear.gather [hbm4b:s9+s2], $0x2800, $0x38;
	[tilespmem:$0x1DF00] =	vst v63  }
0x4f: {  	v1 =	vld [tilespmem:$0x2820];
	_ =	sdelay $0x5  }
0x50: {  	v2 =	vld [tilespmem:$0x2830];
	_ =	sdelay $0x1  }
0x51: {  	v1 =	vld.idx.msk [tilespmem:v1+s2+$0x0], $0xffff;
	_ =	sdelay $0x3  }
0x52: {  	v3 =	vld [tilespmem:$0x2840]  }
0x53: {  	[tilespmem:$0x5000] =	vst v1  }
0x54: {  	v1 =	vld.idx.msk [tilespmem:v2+s2+$0x0], $0xffff;
	_ =	sdelay $0x3  }
0x55: {  	v2 =	vld [tilespmem:$0x2850]  }
0x56: {  	[tilespmem:$0x5010] =	vst v1  }
0x57: {  	v1 =	vld.idx.msk [tilespmem:v3+s2+$0x0], $0xffff;
	_ =	sdelay $0x3  }
0x58: {  	v3 =	vld [tilespmem:$0x2860]  }
0x59: {  	[tilespmem:$0x5020] =	vst v1  }
0x5a: {  	v1 =	vld.idx.msk [tilespmem:v2+s2+$0x0], $0xffff;
	_ =	sdelay $0x4  }
0x5b: {  	[tilespmem:$0x5030] =	vst v1  }
0x5c: {  	v1 =	vld.idx.msk [tilespmem:v3+s2+$0x0], $0xffff;
	_ =	sdelay $0x4  }
0x5d: {  	s21 =	simm.s32 $0x10700;
	[tilespmem:$0x5040] =	vst v1  }
0x5e: {  	[tilespmem:s21], [sflag:$0x4] =	stream.linear.gather [hbm4b:s10+s2], $0x2800, $0x38;
	[tilespmem:$0x1DF00] =	vst v63  }
0x5f: {  	v1 =	vld [tilespmem:$0x2870];
	_ =	sdelay $0x5  }
0x60: {  	v2 =	vld [tilespmem:$0x2880];
	_ =	sdelay $0x1  }
0x61: {  	v1 =	vld.idx.msk [tilespmem:v1+s2+$0x0], $0xffff;
	_ =	sdelay $0x3  }
0x62: {  	v3 =	vld [tilespmem:$0x2890]  }
0x63: {  	[tilespmem:$0x5080] =	vst v1  }
0x64: {  	v1 =	vld.idx.msk [tilespmem:v2+s2+$0x0], $0xffff;
	_ =	sdelay $0x3  }
0x65: {  	v2 =	vld [tilespmem:$0x28A0]  }
0x66: {  	[tilespmem:$0x5090] =	vst v1  }
0x67: {  	v1 =	vld.idx.msk [tilespmem:v3+s2+$0x0], $0xffff;
	_ =	sdelay $0x3  }
0x68: {  	v3 =	vld [tilespmem:$0x28B0]  }
0x69: {  	[tilespmem:$0x50A0] =	vst v1  }
0x6a: {  	v1 =	vld.idx.msk [tilespmem:v2+s2+$0x0], $0xffff;
	_ =	sdelay $0x4  }
0x6b: {  	[tilespmem:$0x50B0] =	vst v1  }
0x6c: {  	v1 =	vld.idx.msk [tilespmem:v3+s2+$0x0], $0xffff;
	_ =	sdelay $0x4  }
0x6d: {  	s23 =	simm.s32 $0x12F00;
	[tilespmem:$0x50C0] =	vst v1  }
0x6e: {  	[tilespmem:s23], [sflag:$0x5] =	stream.linear.gather [hbm4b:s11+s2], $0x2800, $0x38;
	[tilespmem:$0x1DF00] =	vst v63  }
0x6f: {  	v1 =	vld [tilespmem:$0x28C0];
	_ =	sdelay $0x5  }
0x70: {  	v2 =	vld [tilespmem:$0x28D0];
	_ =	sdelay $0x1  }
0x71: {  	v1 =	vld.idx.msk [tilespmem:v1+s2+$0x0], $0xffff;
	_ =	sdelay $0x3  }
0x72: {  	v3 =	vld [tilespmem:$0x28E0]  }
0x73: {  	[tilespmem:$0x5100] =	vst v1  }
0x74: {  	v1 =	vld.idx.msk [tilespmem:v2+s2+$0x0], $0xffff;
	_ =	sdelay $0x3  }
0x75: {  	v2 =	vld [tilespmem:$0x28F0]  }
0x76: {  	[tilespmem:$0x5110] =	vst v1  }
0x77: {  	v1 =	vld.idx.msk [tilespmem:v3+s2+$0x0], $0xffff;
	_ =	sdelay $0x3  }
0x78: {  	v3 =	vld [tilespmem:$0x2900]  }
0x79: {  	[tilespmem:$0x5120] =	vst v1  }
0x7a: {  	v1 =	vld.idx.msk [tilespmem:v2+s2+$0x0], $0xffff;
	_ =	sdelay $0x4  }
0x7b: {  	[tilespmem:$0x5130] =	vst v1  }
0x7c: {  	v1 =	vld.idx.msk [tilespmem:v3+s2+$0x0], $0xffff;
	_ =	sdelay $0x4  }
0x7d: {  	s24 =	simm.s32 $0x15700;
	[tilespmem:$0x5140] =	vst v1  }
0x7e: {  	[tilespmem:s24], [sflag:$0x6] =	stream.linear.gather [hbm4b:s12+s2], $0x2800, $0x38;
	[tilespmem:$0x1DF00] =	vst v63  }
0x7f: {  	v1 =	vld [tilespmem:$0x2910];
	_ =	sdelay $0x5  }
0x80: {  	v2 =	vld [tilespmem:$0x2920];
	_ =	sdelay $0x1  }
0x81: {  	v1 =	vld.idx.msk [tilespmem:v1+s2+$0x0], $0xffff;
	_ =	sdelay $0x3  }
0x82: {  	v3 =	vld [tilespmem:$0x2930]  }
0x83: {  	[tilespmem:$0x5180] =	vst v1  }
0x84: {  	v1 =	vld.idx.msk [tilespmem:v2+s2+$0x0], $0xffff;
	_ =	sdelay $0x3  }
0x85: {  	v2 =	vld [tilespmem:$0x2940]  }
0x86: {  	[tilespmem:$0x5190] =	vst v1  }
0x87: {  	v1 =	vld.idx.msk [tilespmem:v3+s2+$0x0], $0xffff;
	_ =	sdelay $0x3  }
0x88: {  	v3 =	vld [tilespmem:$0x2950]  }
0x89: {  	[tilespmem:$0x51A0] =	vst v1  }
0x8a: {  	v1 =	vld.idx.msk [tilespmem:v2+s2+$0x0], $0xffff;
	_ =	sdelay $0x4  }
0x8b: {  	[tilespmem:$0x51B0] =	vst v1  }
0x8c: {  	v1 =	vld.idx.msk [tilespmem:v3+s2+$0x0], $0xffff;
	_ =	sdelay $0x4  }
0x8d: {  	s15 =	smov.u32 s22;
	[tilespmem:$0x51C0] =	vst v1  }
0x8e: {  	s20 =	simm.s32 $0x4F00;
	s21 =	simm.s32 $0x29A0;
	[bflag:$0x0] =	sbarrier.arrive $0xFFFF  }
.LBB2_4:
0x8f: {  	s23 =	sand.u32 $0x7, s2;
	p0 =	sgt.u32 s2, $0x76  }
0x90: {  	s24 =	smul.u32 @p0 $0xA000, s23;
	s5 =	sadd.s32 @p0 $0x1, s23  }
0x91: {  	_ =	swait.ge @p0 [sflag:s5], $0x2800  }
0x92: {  	s7 =	simm.s32 @p0 $0x50;
	s24 =	sshrl.u32 @p0 s24, $0x2;
	[sflag:s5] =	ssyncset.done @p0 $0x0  }
0x93: {  	s24 =	sadd.s32 @p0 $0x8F00, s24;
	[sflag:s5] =	ssyncadd.s32 @p0 $0xFFFFD800;
	s5 =	sadd.s32 @p0 $0x9, s23  }
0x94: {  	[spmem:s3] =	stream.indirect.scatter.add.f32 @p0 [tilespmem:s24], [sflag:s5], $0x80, s20, s7, $0xb8;
	[tilespmem:$0x1DF00] =	vst v63  }
0x95: {  	v1 =	vld @!p0 [tilespmem:s21+$0xFFFFFFC0];
	_ =	sdelay $0x6  }
0x96: {  	s5 =	simm.s32 @!p0 $0x0  }
0x97: {  	v1 =	vld.idx.msk @!p0 [tilespmem:v1+s5+$0x0], $0xffff;
	_ =	sdelay $0x4  }
0x98: {  	[tilespmem:s20+$0x300] =	vst @!p0 v1  }
0x99: {  	v1 =	vld @!p0 [tilespmem:s21+$0xFFFFFFD0];
	_ =	sdelay $0x7  }
0x9a: {  	v1 =	vld.idx.msk @!p0 [tilespmem:v1+s5+$0x0], $0xffff;
	_ =	sdelay $0x4  }
0x9b: {  	[tilespmem:s20+$0x310] =	vst @!p0 v1  }
0x9c: {  	v1 =	vld @!p0 [tilespmem:s21+$0xFFFFFFE0];
	_ =	sdelay $0x7  }
0x9d: {  	v1 =	vld.idx.msk @!p0 [tilespmem:v1+s5+$0x0], $0xffff;
	_ =	sdelay $0x4  }
0x9e: {  	[tilespmem:s20+$0x320] =	vst @!p0 v1  }
0x9f: {  	v1 =	vld @!p0 [tilespmem:s21+$0xFFFFFFF0];
	_ =	sdelay $0x7  }
0xa0: {  	v1 =	vld.idx.msk @!p0 [tilespmem:v1+s5+$0x0], $0xffff;
	_ =	sdelay $0x4  }
0xa1: {  	[tilespmem:s20+$0x330] =	vst @!p0 v1  }
0xa2: {  	v1 =	vld @!p0 [tilespmem:s21+$0x0];
	_ =	sdelay $0x7  }
0xa3: {  	v1 =	vld.idx.msk @!p0 [tilespmem:v1+s5+$0x0], $0xffff;
	_ =	sdelay $0x4  }
0xa4: {  	s7 =	smul.u32 @!p0 $0xA000, s23;
	s24 =	sadd.s32 @!p0 $0x1, s23;
	[tilespmem:s20+$0x340] =	vst @!p0 v1  }
0xa5: {  	_ =	swait.ge @!p0 [sflag:s24], $0x2800  }
0xa6: {  	s23 =	sadd.s32 @!p0 $0x9, s23;
	s7 =	sshrl.u32 @!p0 s7, $0x2;
	[sflag:s24] =	ssyncset.done @!p0 $0x0  }
0xa7: {  	s7 =	sadd.s32 @!p0 $0x8F00, s7;
	[sflag:s24] =	ssyncadd.s32 @!p0 $0xFFFFD800;
	s24 =	simm.s32 @!p0 $0x50  }
0xa8: {  	[spmem:s3] =	stream.indirect.scatter.add.f32 @!p0 [tilespmem:s7], [sflag:s23], $0x80, s20, s24, $0xb8;
	[tilespmem:$0x1DF00] =	vst v63  }
0xa9: {  	p1 =	slt.u32 @!p0 s2, $0x2;
	s24 =	sadd.s32 $0x6, s2  }
0xaa: {  	p1 =	por p1, p0;
	s7 =	sand.u32 $0x7, s24  }
0xab: {  	s23 =	sadd.s32 @!p1 $0x9, s7;
	s24 =	smul.u32 @!p0 $0xA000, s7  }
0xac: {  	_ =	swait.ge @!p1 [sflag:s23], $0x2800  }
0xad: {  	s2 =	sadd.s32 $0x1, s2;
	[sflag:s23] =	ssyncset.done @!p1 $0x0;
	s24 =	sshrl.u32 @!p0 s24, $0x2  }
0xae: {  	s7 =	sadd.s32 @!p0 $0x1, s7;
	[sflag:s23] =	ssyncadd.s32 @!p1 $0xFFFFD800;
	s23 =	sadd.s32 @!p0 $0x8F00, s24  }
0xaf: {  	[tilespmem:s23], [sflag:s7] =	stream.linear.gather @!p0 [hbm4b:s15+s5], $0x2800, $0x38;
	[tilespmem:$0x1DF00] =	vst v63  }
0xb0: {  	p0 =	sne.s32 s2, $0x7D  }
.Ltmp1:
0xb1: {  	_ = 	snop;
	(pc) =	sbr.rel @p0 .LBB2_4-.Ltmp1, $2  }
0xb2: {  	_ =	sdelay $0x2  }
0xb3: {  	s21 =	sadd.s32 $0x50, s21;
	s20 =	sadd.s32 $0x80, s20;
	s15 =	sadd.s32 $0x500, s15  }
0xb4: {  	_ =	swait.ge [sflag:s25], $0x2800  }
0xb5: {  	[sflag:s25] =	ssyncset.done $0x0  }
0xb6: {  	[sflag:s25] =	ssyncadd.s32 $0xFFFFD800  }
0xb7: {  	_ =	swait.ge [sflag:s26], $0x2800  }
0xb8: {  	[sflag:s26] =	ssyncset.done $0x0  }
0xb9: {  	[sflag:s26] =	ssyncadd.s32 $0xFFFFD800  }
0xba: {  	_ =	swait.ge [sflag:s28], $0x2800  }
0xbb: {  	[sflag:s28] =	ssyncset.done $0x0  }
0xbc: {  	[sflag:s28] =	ssyncadd.s32 $0xFFFFD800  }
0xbd: {  	_ =	swait.ge [sflag:s29], $0x2800  }
0xbe: {  	[sflag:s29] =	ssyncset.done $0x0  }
0xbf: {  	[sflag:s29] =	ssyncadd.s32 $0xFFFFD800  }
0xc0: {  	_ =	swait.ge [sflag:s30], $0x2800  }
0xc1: {  	[sflag:s30] =	ssyncset.done $0x0  }
0xc2: {  	[sflag:s30] =	ssyncadd.s32 $0xFFFFD800  }
0xc3: {  	_ =	swait.ge [sflag:s31], $0x2800  }
0xc4: {  	[sflag:s31] =	ssyncset.done $0x0  }
0xc5: {  	[sflag:s31] =	ssyncadd.s32 $0xFFFFD800  }
0xc6: {  	_ =	swait.ge [sflag:s0], $0x2800  }
0xc7: {  	[sflag:s0] =	ssyncset.done $0x0  }
0xc8: {  	[sflag:s0] =	ssyncadd.s32 $0xFFFFD800  }
0xc9: {  	s2 =	stileid.u32;
	_ =	swait.ge [sflag:s1], $0x2800  }
0xca: {  	s5 =	sshrl.u32 s6, $0x3;
	s16 =	sadd.s32 $0x1, s16;
	[sflag:s1] =	ssyncset.done $0x0  }
0xcb: {  	s2 =	sshll.u32 s2, $0x6;
	p0 =	sne.s32 s16, s14;
	[sflag:s1] =	ssyncadd.s32 $0xFFFFD800  }
.Ltmp2:
0xcc: {  	s2 =	sor.u32 $0x1C12, s2;
	[bflag:$0x0] =	sbarrier.arrive $0xFFFF;
	(pc) =	sbr.rel @p0 .LBB2_1-.Ltmp2, $4  }
0xcd: {  	[hbm:s13], [sflag:s2] =	dma.local [spmem:s5], $0x200  }
0xce: {  	_ =	swait.ge [sflag:s18], $0x200  }
0xcf: {  	[sflag:s18] =	ssyncset.done $0x0  }
0xd0: {  	[sflag:s18] =	ssyncadd.s32 $0xFFFFFE00  }
0xd1: {  	_ =	sfence.sel $0x180000  }
0xd2: {  	[bflag:$0x0] =	sbarrier.arrive $0xFFFF  }
0xd3: {  	_ =	strace $0x90000047  }
0xd4: {  	s0 =	stileid.u32;
	[bflag:$0x2] =	sbarrier.arrive $0xFFFF  }
0xd5: {  	p0 =	sne.s32 s0, $0x0;
	s0 =	rddreg [dreg:$0x5]  }
0xd6: {  	s0 =	sadd.s32 @!p0 $0x100000, s0  }
0xd7: {  	[sflag:s0] =	ssyncadd.tile.s32 @!p0 $0x1;
	_ =	shalt  }
.Lfunc_end2:
_tile_overlayer_lowered:
.L_overlay_start_2:
0xd8: {  	(tag) =	ssettag $0x2  }
0xd9: {  	s0 =	rddreg [dreg:$0x0];
	s2 =	stileid.u32  }
0xda: {  	s1 =	rddreg [dreg:$0x1];
	p0 =	sne.s32 s2, $0x0  }
0xdb: {  	s3 =	rddreg [dreg:$0x2];
	[bflag:$0x3] =	sbarrier.arrive $0xFFFF;
	s2 =	simm.s32 @!p0 $0x1C12  }
0xdc: {  	[timem:s3], [sflag:s2] =	dma.local @!p0 [hbm:s0], s1  }
0xdd: {  	s0 =	simm.s32 @!p0 $0x12  }
0xde: {  	_ =	swait.ge @!p0 [sflag:s0], s1  }
0xdf: {  	s1 =	ssub.s32 @!p0 $0x0, s1;
	[sflag:s0] =	ssyncset.done @!p0 $0x0  }
0xe0: {  	[sflag:s0] =	ssyncadd.s32 @!p0 s1  }
0xe1: {  	[bflag:$0x3] =	sbarrier.arrive $0xFFFF  }
0xe2: {  	_ =	shalt  }

</sc_bundles>
